<compile_context>
chip_gen: v7x
topology: tpu7x:2x2x1
jax: 0.10.2.dev20260603
libtpu: 0.0.44.dev20260713+nightly
codegen_flags: <defaults>
</compile_context>

<pallas_src>
import functools
import math

import jax
import jax.numpy as jnp
from jax import lax
from jax.experimental import pallas as pl
from jax.experimental.pallas import tpu as pltpu
from jax.experimental.pallas import tpu_sc as plsc

_N_DELTA = 4
_N_THETA = 8
_N_GAMMA = 16
_N_STEPS = 5
_THRESH = 0.3
_EPS = 1e-6
_TWO_PI = 2.0 * math.pi

_BM = 512
_N_PAD = 5120
_LANES = 16


def _encode_body(da_ref, db_ref, wp1_ref, bp1_ref, wp2_ref, bp2_ref,
                 ra_ref, ia_ref, rb_ref, ib_ref):
    freqs = jnp.concatenate([
        jnp.full((_N_DELTA,), 2.0, jnp.float32),
        jnp.full((_N_THETA,), 6.0, jnp.float32),
        jnp.full((_N_GAMMA,), 40.0, jnp.float32),
    ])
    wp1 = wp1_ref[...]
    bp1 = bp1_ref[...]
    wp2 = wp2_ref[...]
    bp2 = bp2_ref[...]
    dn = (((1,), (0,)), ((), ()))

    def phase_of(d):
        h = jax.nn.relu(
            jax.lax.dot_general(d, wp1, dn, preferred_element_type=jnp.float32)
            + bp1)
        return (jax.lax.dot_general(h, wp2, dn, preferred_element_type=jnp.float32)
                + bp2) % _TWO_PI

    phase_a = phase_of(da_ref[...])
    phase_b = phase_of(db_ref[...])
    dt = 0.01
    two_pi = jnp.float32(_TWO_PI)
    for _ in range(_N_STEPS):
        t = phase_a + _TWO_PI * freqs * dt
        phase_a = jnp.where(t >= two_pi, t - two_pi, t)

    def unit(p):
        re = jnp.cos(p)
        im = jnp.sin(p)
        nrm = jnp.sqrt(jnp.sum(re * re + im * im, axis=-1, keepdims=True)) + _EPS
        return re / nrm, im / nrm

    ra_ref[...], ia_ref[...] = unit(phase_a)
    rb_ref[...], ib_ref[...] = unit(phase_b)


def _encode_call(da, db, Wp1, bp1, Wp2, bp2):
    n_t, _ = da.shape
    n_t1, _ = db.shape
    k = Wp2.shape[1]
    out = jax.ShapeDtypeStruct((n_t, k), jnp.float32)
    out1 = jax.ShapeDtypeStruct((n_t1, k), jnp.float32)
    return pl.pallas_call(
        _encode_body,
        out_shape=[out, out, out1, out1],
    )(da, db, Wp1, bp1.reshape(1, -1), Wp2, bp2.reshape(1, -1))


def _sim_body(ra_ref, ia_ref, rb_ref, ib_ref, sim_ref, ms_ref, mi_ref):
    ra = ra_ref[...]
    ia = ia_ref[...]
    rb = rb_ref[...]
    ib = ib_ref[...]
    dn = (((1,), (1,)), ((), ()))
    sim = jax.lax.dot_general(ra, rb, dn, preferred_element_type=jnp.float32)
    sim = sim + jax.lax.dot_general(ia, ib, dn, preferred_element_type=jnp.float32)
    sim_ref[...] = sim
    m = jnp.max(sim, axis=1, keepdims=True)
    ms_ref[...] = m
    n_t1 = sim.shape[1]
    col = jax.lax.broadcasted_iota(jnp.int32, sim.shape, 1)
    cand = jnp.where(sim == m, col, n_t1)
    mi_ref[...] = jnp.min(cand, axis=1, keepdims=True)


def _sim_call(ra, ia, rb, ib):
    n_t, k = ra.shape
    n_t1 = rb.shape[0]
    grid = (pl.cdiv(n_t, _BM),)
    return pl.pallas_call(
        _sim_body,
        grid=grid,
        in_specs=[
            pl.BlockSpec((_BM, k), lambda i: (i, 0)),
            pl.BlockSpec((_BM, k), lambda i: (i, 0)),
            pl.BlockSpec((n_t1, k), lambda i: (0, 0)),
            pl.BlockSpec((n_t1, k), lambda i: (0, 0)),
        ],
        out_specs=[
            pl.BlockSpec((_BM, n_t1), lambda i: (i, 0)),
            pl.BlockSpec((_BM, 1), lambda i: (i, 0)),
            pl.BlockSpec((_BM, 1), lambda i: (i, 0)),
        ],
        out_shape=[
            jax.ShapeDtypeStruct((n_t, n_t1), jnp.float32),
            jax.ShapeDtypeStruct((n_t, 1), jnp.float32),
            jax.ShapeDtypeStruct((n_t, 1), jnp.int32),
        ],
    )(ra, ia, rb, ib)


def _rank_body(ms_ref, msr_ref, rank_ref, thr_ref):
    pid = pl.program_id(0)
    msb = ms_ref[...]
    msr = msr_ref[...]
    gt = msr > msb
    col = jax.lax.broadcasted_iota(jnp.int32, gt.shape, 1)
    row = pid * _BM + jax.lax.broadcasted_iota(jnp.int32, gt.shape, 0)
    tie = jnp.logical_and(msr == msb, col < row)
    before = jnp.logical_or(gt, tie).astype(jnp.int32)
    rank_ref[...] = jnp.sum(before, axis=1, keepdims=True)
    thr_ref[...] = (msb > _THRESH).astype(jnp.int32)


def _rank_call(ms, msr):
    n_t = ms.shape[0]
    n_t1 = msr.shape[1]
    grid = (pl.cdiv(n_t, _BM),)
    return pl.pallas_call(
        _rank_body,
        grid=grid,
        in_specs=[
            pl.BlockSpec((_BM, 1), lambda i: (i, 0)),
            pl.BlockSpec((1, n_t1), lambda i: (0, 0)),
        ],
        out_specs=[
            pl.BlockSpec((_BM, 1), lambda i: (i, 0)),
            pl.BlockSpec((_BM, 1), lambda i: (i, 0)),
        ],
        out_shape=[
            jax.ShapeDtypeStruct((n_t, 1), jnp.int32),
            jax.ShapeDtypeStruct((n_t, 1), jnp.int32),
        ],
    )(ms, msr)


def _greedy_body(n_t, n_t1, rank_hbm, mi_hbm, thr_hbm, out_hbm,
                 rank_v, mi_v, thr_v, order_v, used_v, match_v, jwin_v):
    c = lax.axis_index("c")
    s = lax.axis_index("s")

    @pl.when(jnp.logical_and(c == 0, s == 0))
    def _():
        pltpu.sync_copy(rank_hbm, rank_v)
        pltpu.sync_copy(mi_hbm, mi_v)
        pltpu.sync_copy(thr_hbm, thr_v)

        lane = jax.lax.iota(jnp.int32, _LANES)
        ones = jnp.ones((_LANES,), jnp.int32)
        nwin = _N_PAD // _LANES

        def init_body(k, carry):
            base = k * _LANES
            idxr = rank_v[pl.ds(base, _LANES)]
            plsc.store_scatter(order_v, [idxr], lane + base)
            used_v[pl.ds(base, _LANES)] = jnp.zeros((_LANES,), jnp.int32)
            return carry

        lax.fori_loop(0, nwin, init_body, 0)

        def win_body(k, carry):
            idxv = order_v[pl.ds(k * _LANES, _LANES)]
            jv = plsc.load_gather(mi_v, [idxv])
            thrv = plsc.load_gather(thr_v, [idxv])
            usedv = plsc.load_gather(used_v, [jv])
            jwin_v[...] = jv
            seen = jnp.zeros((_LANES,), jnp.bool_)
            for sh in range(1, _LANES):
                perm = (lane + (_LANES - sh)) & (_LANES - 1)
                rolled = plsc.load_gather(jwin_v, [perm])
                dup = jnp.logical_and(rolled == jv, lane >= sh)
                seen = jnp.logical_or(seen, dup)
            claim = jnp.logical_and(
                jnp.logical_and(thrv == 1, usedv == 0),
                jnp.logical_not(seen))
            plsc.store_scatter(used_v, [jv], ones, mask=claim)
            plsc.store_scatter(match_v, [idxv], jnp.where(claim, jv, -1))
            return carry

        lax.fori_loop(0, nwin, win_body, 0)

        pltpu.sync_copy(match_v, out_hbm)


def _greedy_call(rank_p, mi_p, thr_p, n_t, n_t1):
    mesh = plsc.VectorSubcoreMesh(core_axis_name="c", subcore_axis_name="s")
    return pl.kernel(
        functools.partial(_greedy_body, n_t, n_t1),
        out_type=jax.ShapeDtypeStruct((_N_PAD,), jnp.int32),
        mesh=mesh,
        compiler_params=pltpu.CompilerParams(needs_layout_passes=False),
        scratch_types=[
            pltpu.VMEM((_N_PAD,), jnp.int32),
            pltpu.VMEM((_N_PAD,), jnp.int32),
            pltpu.VMEM((_N_PAD,), jnp.int32),
            pltpu.VMEM((_N_PAD,), jnp.int32),
            pltpu.VMEM((_N_PAD,), jnp.int32),
            pltpu.VMEM((_N_PAD,), jnp.int32),
            pltpu.VMEM((_LANES,), jnp.int32),
        ],
    )(rank_p, mi_p, thr_p)


def kernel(detections_t, detections_t1, Wp1, bp1, Wp2, bp2, Wa1, ba1, Wa2, ba2):
    ra, ia, rb, ib = _encode_call(detections_t, detections_t1, Wp1, bp1, Wp2, bp2)

    sim, ms, mi = _sim_call(ra, ia, rb, ib)

    n_t = detections_t.shape[0]
    n_t1 = detections_t1.shape[0]

    rank, thr = _rank_call(ms, ms.reshape(1, n_t))

    pad = _N_PAD - n_t
    rank_p = jnp.concatenate([rank[:, 0], jnp.arange(n_t, _N_PAD, dtype=jnp.int32)])
    mi_p = jnp.concatenate([mi[:, 0], jnp.zeros((pad,), jnp.int32)])
    thr_p = jnp.concatenate([thr[:, 0], jnp.zeros((pad,), jnp.int32)])

    matches = _greedy_call(rank_p, mi_p, thr_p, n_t, n_t1)[:n_t]
    return matches, sim

# --- scband reference (transcript-rebuilt; emitter-appended) ---
"""Pipeline reference for scband-phase-tracker-static-16286515986739 (READ-ONLY COPY).

The authoritative reference and input builder live on the scoring server;
editing this copy changes nothing except your own understanding.
"""

import math
import jax, jax.numpy as jnp
import numpy as np

N_DELTA = 4
N_THETA = 8
N_GAMMA = 16
N_OSC = N_DELTA + N_THETA + N_GAMMA
N_STEPS = 5
THRESH = 0.3
EPS = 1e-6
N_T = 5000
N_T1 = 5000
DET_DIM = 4


def _lin_init(k, fan_in, fan_out):
    bound = 1.0 / np.sqrt(fan_in)
    kw, kb = jax.random.split(k)
    W = jax.random.uniform(kw, (fan_in, fan_out), jnp.float32, -bound, bound)
    b = jax.random.uniform(kb, (fan_out,), jnp.float32, -bound, bound)
    return W, b


def setup_inputs(seed: int = 0) -> dict:
    key = jax.random.key(seed)
    ks = jax.random.split(key, 6)
    detections_t = jax.random.normal(ks[0], (N_T, DET_DIM), jnp.float32)
    detections_t1 = jax.random.normal(ks[1], (N_T1, DET_DIM), jnp.float32)
    Wp1, bp1 = _lin_init(ks[2], DET_DIM, 64)
    Wp2, bp2 = _lin_init(ks[3], 64, N_OSC)
    Wa1, ba1 = _lin_init(ks[4], DET_DIM, 64)
    Wa2, ba2 = _lin_init(ks[5], 64, N_OSC)
    return {
        'detections_t': detections_t,
        'detections_t1': detections_t1,
        'Wp1': Wp1, 'bp1': bp1, 'Wp2': Wp2, 'bp2': bp2,
        'Wa1': Wa1, 'ba1': ba1, 'Wa2': Wa2, 'ba2': ba2,
    }


def reference(detections_t, detections_t1, Wp1, bp1, Wp2, bp2, Wa1, ba1, Wa2, ba2):
    two_pi = 2.0 * math.pi
    freqs = jnp.concatenate([
        jnp.full((N_DELTA,), 2.0, jnp.float32),
        jnp.full((N_THETA,), 6.0, jnp.float32),
        jnp.full((N_GAMMA,), 40.0, jnp.float32),
    ])

    def encode(d):
        h = jax.nn.relu(d @ Wp1 + bp1)
        phase = (h @ Wp2 + bp2) % two_pi
        h2 = jax.nn.relu(d @ Wa1 + ba1)
        amp = jax.nn.softplus(h2 @ Wa2 + ba2)
        return phase, amp

    phase_t, amp_t = encode(detections_t)
    phase_t1, amp_t1 = encode(detections_t1)

    # evolve: simple phase advance, no coupling
    dt = 0.01
    for _ in range(N_STEPS):
        phase_t = (phase_t + two_pi * freqs * dt) % two_pi

    # phase similarity: real part of <z_a_norm, conj(z_b_norm)> with z = exp(i*phase)
    def unit(p):
        re = jnp.cos(p)
        im = jnp.sin(p)
        nrm = jnp.sqrt(jnp.sum(re * re + im * im, axis=-1, keepdims=True)) + EPS
        return re / nrm, im / nrm

    ra, ia = unit(phase_t)
    rb, ib = unit(phase_t1)
    sim = ra @ rb.T + ia @ ib.T  # [N_t, N_t1]

    # greedy matching (sequential, highest-confidence first)
    max_sims = jnp.max(sim, axis=1)
    max_idxs = jnp.argmax(sim, axis=1)
    order = jnp.argsort(-max_sims)
    matches0 = jnp.full((N_T,), -1, jnp.int32)
    used0 = jnp.zeros((N_T1,), bool)

    def step(carry, idx):
        matches, used = carry
        j = max_idxs[idx]
        ok = jnp.logical_and(jnp.logical_not(used[j]), max_sims[idx] > THRESH)
        matches = matches.at[idx].set(jnp.where(ok, j.astype(jnp.int32), matches[idx]))
        used = used.at[j].set(jnp.logical_or(used[j], ok))
        return (matches, used), None

    (matches, used), _ = jax.lax.scan(step, (matches0, used0), order)
    return matches, sim

if __name__ == "__main__":
    import jax
    _d = setup_inputs()
    print(jax.jit(kernel)(*tuple(_d.values())))

</pallas_src>

<mosaic_0001>
#map = affine_map<(d0, d1) -> (0)>
module attributes {stable_mosaic.version = 14 : i64} {
  func.func @_greedy_body(%arg0: i32, %arg1: i32, %arg2: memref<5120xi32, #tpu.memory_space<hbm>>, %arg3: memref<5120xi32, #tpu.memory_space<hbm>>, %arg4: memref<5120xi32, #tpu.memory_space<hbm>>, %arg5: memref<5120xi32, #tpu.memory_space<hbm>>, %arg6: memref<5120xi32, #tpu.memory_space<vmem>>, %arg7: memref<5120xi32, #tpu.memory_space<vmem>>, %arg8: memref<5120xi32, #tpu.memory_space<vmem>>, %arg9: memref<5120xi32, #tpu.memory_space<vmem>>, %arg10: memref<5120xi32, #tpu.memory_space<vmem>>, %arg11: memref<5120xi32, #tpu.memory_space<vmem>>, %arg12: memref<16xi32, #tpu.memory_space<vmem>>) attributes {dimension_semantics = [#tpu.dimension_semantics<core_parallel>, #tpu.dimension_semantics<subcore_parallel>], iteration_bounds = array<i64: 2, 16>, scalar_prefetch = 0 : i64, scratch_operands = 7 : i64, tpu.core_type = #tpu.core_type<sc_vector_subcore>, window_params = [{transform_indices = #map}, {transform_indices = #map}, {transform_indices = #map}, {transform_indices = #map}]} {
    %eq3A = arith.constant 0 : i32
    %eq3A_0 = arith.cmpi eq, %arg0, %eq3A : i32
    %eq3A_1 = arith.constant 0 : i32
    %eq3A_2 = arith.cmpi eq, %arg1, %eq3A_1 : i32
    %and3A = arith.andi %eq3A_0, %eq3A_2 : i1
    %convert_element_type3A = arith.extui %and3A : i1 to i32
    %cond3A = arith.constant 0 : i32
    %cond3A_3 = arith.cmpi ne, %convert_element_type3A, %cond3A : i32
    scf.if %cond3A_3 {
      "tpu.region"() ({
        %run_scoped3A = tpu.sem_alloc : memref<!tpu.dma_semaphore, #tpu.memory_space<semaphore_mem>>
        tpu.enqueue_dma source(%arg2 : memref<5120xi32, #tpu.memory_space<hbm>>) target(%arg6 : memref<5120xi32, #tpu.memory_space<vmem>>) target_semaphore(%run_scoped3A : memref<!tpu.dma_semaphore, #tpu.memory_space<semaphore_mem>>)
        tpu.wait_dma2 semaphore(%run_scoped3A : memref<!tpu.dma_semaphore, #tpu.memory_space<semaphore_mem>>) src(%arg2 : memref<5120xi32, #tpu.memory_space<hbm>>) dst(%arg6 : memref<5120xi32, #tpu.memory_space<vmem>>)
        tpu.yield
      }) : () -> ()
      "tpu.region"() ({
        %run_scoped3A = tpu.sem_alloc : memref<!tpu.dma_semaphore, #tpu.memory_space<semaphore_mem>>
        tpu.enqueue_dma source(%arg3 : memref<5120xi32, #tpu.memory_space<hbm>>) target(%arg7 : memref<5120xi32, #tpu.memory_space<vmem>>) target_semaphore(%run_scoped3A : memref<!tpu.dma_semaphore, #tpu.memory_space<semaphore_mem>>)
        tpu.wait_dma2 semaphore(%run_scoped3A : memref<!tpu.dma_semaphore, #tpu.memory_space<semaphore_mem>>) src(%arg3 : memref<5120xi32, #tpu.memory_space<hbm>>) dst(%arg7 : memref<5120xi32, #tpu.memory_space<vmem>>)
        tpu.yield
      }) : () -> ()
      "tpu.region"() ({
        %run_scoped3A = tpu.sem_alloc : memref<!tpu.dma_semaphore, #tpu.memory_space<semaphore_mem>>
        tpu.enqueue_dma source(%arg4 : memref<5120xi32, #tpu.memory_space<hbm>>) target(%arg8 : memref<5120xi32, #tpu.memory_space<vmem>>) target_semaphore(%run_scoped3A : memref<!tpu.dma_semaphore, #tpu.memory_space<semaphore_mem>>)
        tpu.wait_dma2 semaphore(%run_scoped3A : memref<!tpu.dma_semaphore, #tpu.memory_space<semaphore_mem>>) src(%arg4 : memref<5120xi32, #tpu.memory_space<hbm>>) dst(%arg8 : memref<5120xi32, #tpu.memory_space<vmem>>)
        tpu.yield
      }) : () -> ()
      %iota3A = tpu.iota {dimensions = array<i32: 0>} : vector<16xi32>
      %broadcast_in_dim3A = arith.constant 1 : i32
      %broadcast_in_dim3A_4 = vector.broadcast %broadcast_in_dim3A : i32 to vector<16xi32>
      %scan3A = arith.constant 0 : i32
      %scan3A_5 = arith.constant 0 : i32
      %scan3A_6 = arith.constant 320 : i32
      %scan3A_7 = arith.addi %scan3A_5, %scan3A_6 : i32
      %scan3A_8 = arith.constant 1 : i32
      scf.for %scan3A_16 = %scan3A_5 to %scan3A_7 step %scan3A_8  : i32 {
        %mul3A = arith.constant 16 : i32
        %mul3A_17 = arith.muli %scan3A_16, %mul3A : i32
        %get3A = arith.index_cast %mul3A_17 : i32 to index
        %get3A_18 = tpu.vector_load %arg6[%get3A] {strides = array<i32>} : memref<5120xi32, #tpu.memory_space<vmem>>, vector<16xi32>,
        %add3A = vector.broadcast %mul3A_17 : i32 to vector<16xi32>
        %add3A_19 = arith.addi %iota3A, %add3A : vector<16xi32>
        tpu.vector_store_idx %arg9[%get3A_18], %add3A_19 : memref<5120xi32, #tpu.memory_space<vmem>>[vector<16xi32>], vector<16xi32>,
        %broadcast_in_dim3A_20 = arith.constant 0 : i32
        %broadcast_in_dim3A_21 = vector.broadcast %broadcast_in_dim3A_20 : i32 to vector<16xi32>
        %swap3A = arith.index_cast %mul3A_17 : i32 to index
        %swap3A_22 = tpu.vector_load %arg10[%swap3A] {strides = array<i32>} : memref<5120xi32, #tpu.memory_space<vmem>>, vector<16xi32>,
        tpu.vector_store %arg10[%swap3A], %broadcast_in_dim3A_21 {strides = array<i32>} : memref<5120xi32, #tpu.memory_space<vmem>>, vector<16xi32>,
      }
      %scan3A_9 = arith.constant 320 : i32
      %scan3A_10 = arith.constant 0 : i32
      %scan3A_11 = arith.constant 0 : i32
      %scan3A_12 = arith.constant 320 : i32
      %scan3A_13 = arith.addi %scan3A_11, %scan3A_12 : i32
      %scan3A_14 = arith.constant 1 : i32
      scf.for %scan3A_16 = %scan3A_11 to %scan3A_13 step %scan3A_14  : i32 {
        %mul3A = arith.constant 16 : i32
        %mul3A_17 = arith.muli %scan3A_16, %mul3A : i32
        %get3A = arith.index_cast %mul3A_17 : i32 to index
        %get3A_18 = tpu.vector_load %arg9[%get3A] {strides = array<i32>} : memref<5120xi32, #tpu.memory_space<vmem>>, vector<16xi32>,
        %gather3A = tpu.vector_load_idx %arg7[%get3A_18] : memref<5120xi32, #tpu.memory_space<vmem>>[vector<16xi32>], vector<16xi32>,
        %gather3A_19 = tpu.vector_load_idx %arg8[%get3A_18] : memref<5120xi32, #tpu.memory_space<vmem>>[vector<16xi32>], vector<16xi32>,
        %gather3A_20 = tpu.vector_load_idx %arg10[%gather3A] : memref<5120xi32, #tpu.memory_space<vmem>>[vector<16xi32>], vector<16xi32>,
        %swap3A = arith.constant 0 : index
        %swap3A_21 = tpu.vector_load %arg12[%swap3A] {strides = array<i32>} : memref<16xi32, #tpu.memory_space<vmem>>, vector<16xi32>,
        tpu.vector_store %arg12[%swap3A], %gather3A {strides = array<i32>} : memref<16xi32, #tpu.memory_space<vmem>>, vector<16xi32>,
        %broadcast_in_dim3A_22 = arith.constant false
        %broadcast_in_dim3A_23 = vector.broadcast %broadcast_in_dim3A_22 : i1 to vector<16xi1>
        %add3A = arith.constant 15 : i32
        %add3A_24 = vector.broadcast %add3A : i32 to vector<16xi32>
        %add3A_25 = arith.addi %iota3A, %add3A_24 : vector<16xi32>
        %and3A_26 = arith.constant 15 : i32
        %and3A_27 = vector.broadcast %and3A_26 : i32 to vector<16xi32>
        %and3A_28 = arith.andi %add3A_25, %and3A_27 : vector<16xi32>
        %gather3A_29 = tpu.vector_load_idx %arg12[%and3A_28] : memref<16xi32, #tpu.memory_space<vmem>>[vector<16xi32>], vector<16xi32>,
        %eq3A_30 = arith.cmpi eq, %gather3A_29, %gather3A : vector<16xi32>
        %ge3A = arith.constant 1 : i32
        %ge3A_31 = vector.broadcast %ge3A : i32 to vector<16xi32>
        %ge3A_32 = arith.cmpi sge, %iota3A, %ge3A_31 : vector<16xi32>
        %and3A_33 = arith.andi %eq3A_30, %ge3A_32 : vector<16xi1>
        %or3A = arith.ori %broadcast_in_dim3A_23, %and3A_33 : vector<16xi1>
        %add3A_34 = arith.constant 14 : i32
        %add3A_35 = vector.broadcast %add3A_34 : i32 to vector<16xi32>
        %add3A_36 = arith.addi %iota3A, %add3A_35 : vector<16xi32>
        %and3A_37 = arith.constant 15 : i32
        %and3A_38 = vector.broadcast %and3A_37 : i32 to vector<16xi32>
        %and3A_39 = arith.andi %add3A_36, %and3A_38 : vector<16xi32>
        %gather3A_40 = tpu.vector_load_idx %arg12[%and3A_39] : memref<16xi32, #tpu.memory_space<vmem>>[vector<16xi32>], vector<16xi32>,
        %eq3A_41 = arith.cmpi eq, %gather3A_40, %gather3A : vector<16xi32>
        %ge3A_42 = arith.constant 2 : i32
        %ge3A_43 = vector.broadcast %ge3A_42 : i32 to vector<16xi32>
        %ge3A_44 = arith.cmpi sge, %iota3A, %ge3A_43 : vector<16xi32>
        %and3A_45 = arith.andi %eq3A_41, %ge3A_44 : vector<16xi1>
        %or3A_46 = arith.ori %or3A, %and3A_45 : vector<16xi1>
        %add3A_47 = arith.constant 13 : i32
        %add3A_48 = vector.broadcast %add3A_47 : i32 to vector<16xi32>
        %add3A_49 = arith.addi %iota3A, %add3A_48 : vector<16xi32>
        %and3A_50 = arith.constant 15 : i32
        %and3A_51 = vector.broadcast %and3A_50 : i32 to vector<16xi32>
        %and3A_52 = arith.andi %add3A_49, %and3A_51 : vector<16xi32>
        %gather3A_53 = tpu.vector_load_idx %arg12[%and3A_52] : memref<16xi32, #tpu.memory_space<vmem>>[vector<16xi32>], vector<16xi32>,
        %eq3A_54 = arith.cmpi eq, %gather3A_53, %gather3A : vector<16xi32>
        %ge3A_55 = arith.constant 3 : i32
        %ge3A_56 = vector.broadcast %ge3A_55 : i32 to vector<16xi32>
        %ge3A_57 = arith.cmpi sge, %iota3A, %ge3A_56 : vector<16xi32>
        %and3A_58 = arith.andi %eq3A_54, %ge3A_57 : vector<16xi1>
        %or3A_59 = arith.ori %or3A_46, %and3A_58 : vector<16xi1>
        %add3A_60 = arith.constant 12 : i32
        %add3A_61 = vector.broadcast %add3A_60 : i32 to vector<16xi32>
        %add3A_62 = arith.addi %iota3A, %add3A_61 : vector<16xi32>
        %and3A_63 = arith.constant 15 : i32
        %and3A_64 = vector.broadcast %and3A_63 : i32 to vector<16xi32>
        %and3A_65 = arith.andi %add3A_62, %and3A_64 : vector<16xi32>
        %gather3A_66 = tpu.vector_load_idx %arg12[%and3A_65] : memref<16xi32, #tpu.memory_space<vmem>>[vector<16xi32>], vector<16xi32>,
        %eq3A_67 = arith.cmpi eq, %gather3A_66, %gather3A : vector<16xi32>
        %ge3A_68 = arith.constant 4 : i32
        %ge3A_69 = vector.broadcast %ge3A_68 : i32 to vector<16xi32>
        %ge3A_70 = arith.cmpi sge, %iota3A, %ge3A_69 : vector<16xi32>
        %and3A_71 = arith.andi %eq3A_67, %ge3A_70 : vector<16xi1>
        %or3A_72 = arith.ori %or3A_59, %and3A_71 : vector<16xi1>
        %add3A_73 = arith.constant 11 : i32
        %add3A_74 = vector.broadcast %add3A_73 : i32 to vector<16xi32>
        %add3A_75 = arith.addi %iota3A, %add3A_74 : vector<16xi32>
        %and3A_76 = arith.constant 15 : i32
        %and3A_77 = vector.broadcast %and3A_76 : i32 to vector<16xi32>
        %and3A_78 = arith.andi %add3A_75, %and3A_77 : vector<16xi32>
        %gather3A_79 = tpu.vector_load_idx %arg12[%and3A_78] : memref<16xi32, #tpu.memory_space<vmem>>[vector<16xi32>], vector<16xi32>,
        %eq3A_80 = arith.cmpi eq, %gather3A_79, %gather3A : vector<16xi32>
        %ge3A_81 = arith.constant 5 : i32
        %ge3A_82 = vector.broadcast %ge3A_81 : i32 to vector<16xi32>
        %ge3A_83 = arith.cmpi sge, %iota3A, %ge3A_82 : vector<16xi32>
        %and3A_84 = arith.andi %eq3A_80, %ge3A_83 : vector<16xi1>
        %or3A_85 = arith.ori %or3A_72, %and3A_84 : vector<16xi1>
        %add3A_86 = arith.constant 10 : i32
        %add3A_87 = vector.broadcast %add3A_86 : i32 to vector<16xi32>
        %add3A_88 = arith.addi %iota3A, %add3A_87 : vector<16xi32>
        %and3A_89 = arith.constant 15 : i32
        %and3A_90 = vector.broadcast %and3A_89 : i32 to vector<16xi32>
        %and3A_91 = arith.andi %add3A_88, %and3A_90 : vector<16xi32>
        %gather3A_92 = tpu.vector_load_idx %arg12[%and3A_91] : memref<16xi32, #tpu.memory_space<vmem>>[vector<16xi32>], vector<16xi32>,
        %eq3A_93 = arith.cmpi eq, %gather3A_92, %gather3A : vector<16xi32>
        %ge3A_94 = arith.constant 6 : i32
        %ge3A_95 = vector.broadcast %ge3A_94 : i32 to vector<16xi32>
        %ge3A_96 = arith.cmpi sge, %iota3A, %ge3A_95 : vector<16xi32>
        %and3A_97 = arith.andi %eq3A_93, %ge3A_96 : vector<16xi1>
        %or3A_98 = arith.ori %or3A_85, %and3A_97 : vector<16xi1>
        %add3A_99 = arith.constant 9 : i32
        %add3A_100 = vector.broadcast %add3A_99 : i32 to vector<16xi32>
        %add3A_101 = arith.addi %iota3A, %add3A_100 : vector<16xi32>
        %and3A_102 = arith.constant 15 : i32
        %and3A_103 = vector.broadcast %and3A_102 : i32 to vector<16xi32>
        %and3A_104 = arith.andi %add3A_101, %and3A_103 : vector<16xi32>
        %gather3A_105 = tpu.vector_load_idx %arg12[%and3A_104] : memref<16xi32, #tpu.memory_space<vmem>>[vector<16xi32>], vector<16xi32>,
        %eq3A_106 = arith.cmpi eq, %gather3A_105, %gather3A : vector<16xi32>
        %ge3A_107 = arith.constant 7 : i32
        %ge3A_108 = vector.broadcast %ge3A_107 : i32 to vector<16xi32>
        %ge3A_109 = arith.cmpi sge, %iota3A, %ge3A_108 : vector<16xi32>
        %and3A_110 = arith.andi %eq3A_106, %ge3A_109 : vector<16xi1>
        %or3A_111 = arith.ori %or3A_98, %and3A_110 : vector<16xi1>
        %add3A_112 = arith.constant 8 : i32
        %add3A_113 = vector.broadcast %add3A_112 : i32 to vector<16xi32>
        %add3A_114 = arith.addi %iota3A, %add3A_113 : vector<16xi32>
        %and3A_115 = arith.constant 15 : i32
        %and3A_116 = vector.broadcast %and3A_115 : i32 to vector<16xi32>
        %and3A_117 = arith.andi %add3A_114, %and3A_116 : vector<16xi32>
        %gather3A_118 = tpu.vector_load_idx %arg12[%and3A_117] : memref<16xi32, #tpu.memory_space<vmem>>[vector<16xi32>], vector<16xi32>,
        %eq3A_119 = arith.cmpi eq, %gather3A_118, %gather3A : vector<16xi32>
        %ge3A_120 = arith.constant 8 : i32
        %ge3A_121 = vector.broadcast %ge3A_120 : i32 to vector<16xi32>
        %ge3A_122 = arith.cmpi sge, %iota3A, %ge3A_121 : vector<16xi32>
        %and3A_123 = arith.andi %eq3A_119, %ge3A_122 : vector<16xi1>
        %or3A_124 = arith.ori %or3A_111, %and3A_123 : vector<16xi1>
        %add3A_125 = arith.constant 7 : i32
        %add3A_126 = vector.broadcast %add3A_125 : i32 to vector<16xi32>
        %add3A_127 = arith.addi %iota3A, %add3A_126 : vector<16xi32>
        %and3A_128 = arith.constant 15 : i32
        %and3A_129 = vector.broadcast %and3A_128 : i32 to vector<16xi32>
        %and3A_130 = arith.andi %add3A_127, %and3A_129 : vector<16xi32>
        %gather3A_131 = tpu.vector_load_idx %arg12[%and3A_130] : memref<16xi32, #tpu.memory_space<vmem>>[vector<16xi32>], vector<16xi32>,
        %eq3A_132 = arith.cmpi eq, %gather3A_131, %gather3A : vector<16xi32>
        %ge3A_133 = arith.constant 9 : i32
        %ge3A_134 = vector.broadcast %ge3A_133 : i32 to vector<16xi32>
        %ge3A_135 = arith.cmpi sge, %iota3A, %ge3A_134 : vector<16xi32>
        %and3A_136 = arith.andi %eq3A_132, %ge3A_135 : vector<16xi1>
        %or3A_137 = arith.ori %or3A_124, %and3A_136 : vector<16xi1>
        %add3A_138 = arith.constant 6 : i32
        %add3A_139 = vector.broadcast %add3A_138 : i32 to vector<16xi32>
        %add3A_140 = arith.addi %iota3A, %add3A_139 : vector<16xi32>
        %and3A_141 = arith.constant 15 : i32
        %and3A_142 = vector.broadcast %and3A_141 : i32 to vector<16xi32>
        %and3A_143 = arith.andi %add3A_140, %and3A_142 : vector<16xi32>
        %gather3A_144 = tpu.vector_load_idx %arg12[%and3A_143] : memref<16xi32, #tpu.memory_space<vmem>>[vector<16xi32>], vector<16xi32>,
        %eq3A_145 = arith.cmpi eq, %gather3A_144, %gather3A : vector<16xi32>
        %ge3A_146 = arith.constant 10 : i32
        %ge3A_147 = vector.broadcast %ge3A_146 : i32 to vector<16xi32>
        %ge3A_148 = arith.cmpi sge, %iota3A, %ge3A_147 : vector<16xi32>
        %and3A_149 = arith.andi %eq3A_145, %ge3A_148 : vector<16xi1>
        %or3A_150 = arith.ori %or3A_137, %and3A_149 : vector<16xi1>
        %add3A_151 = arith.constant 5 : i32
        %add3A_152 = vector.broadcast %add3A_151 : i32 to vector<16xi32>
        %add3A_153 = arith.addi %iota3A, %add3A_152 : vector<16xi32>
        %and3A_154 = arith.constant 15 : i32
        %and3A_155 = vector.broadcast %and3A_154 : i32 to vector<16xi32>
        %and3A_156 = arith.andi %add3A_153, %and3A_155 : vector<16xi32>
        %gather3A_157 = tpu.vector_load_idx %arg12[%and3A_156] : memref<16xi32, #tpu.memory_space<vmem>>[vector<16xi32>], vector<16xi32>,
        %eq3A_158 = arith.cmpi eq, %gather3A_157, %gather3A : vector<16xi32>
        %ge3A_159 = arith.constant 11 : i32
        %ge3A_160 = vector.broadcast %ge3A_159 : i32 to vector<16xi32>
        %ge3A_161 = arith.cmpi sge, %iota3A, %ge3A_160 : vector<16xi32>
        %and3A_162 = arith.andi %eq3A_158, %ge3A_161 : vector<16xi1>
        %or3A_163 = arith.ori %or3A_150, %and3A_162 : vector<16xi1>
        %add3A_164 = arith.constant 4 : i32
        %add3A_165 = vector.broadcast %add3A_164 : i32 to vector<16xi32>
        %add3A_166 = arith.addi %iota3A, %add3A_165 : vector<16xi32>
        %and3A_167 = arith.constant 15 : i32
        %and3A_168 = vector.broadcast %and3A_167 : i32 to vector<16xi32>
        %and3A_169 = arith.andi %add3A_166, %and3A_168 : vector<16xi32>
        %gather3A_170 = tpu.vector_load_idx %arg12[%and3A_169] : memref<16xi32, #tpu.memory_space<vmem>>[vector<16xi32>], vector<16xi32>,
        %eq3A_171 = arith.cmpi eq, %gather3A_170, %gather3A : vector<16xi32>
        %ge3A_172 = arith.constant 12 : i32
        %ge3A_173 = vector.broadcast %ge3A_172 : i32 to vector<16xi32>
        %ge3A_174 = arith.cmpi sge, %iota3A, %ge3A_173 : vector<16xi32>
        %and3A_175 = arith.andi %eq3A_171, %ge3A_174 : vector<16xi1>
        %or3A_176 = arith.ori %or3A_163, %and3A_175 : vector<16xi1>
        %add3A_177 = arith.constant 3 : i32
        %add3A_178 = vector.broadcast %add3A_177 : i32 to vector<16xi32>
        %add3A_179 = arith.addi %iota3A, %add3A_178 : vector<16xi32>
        %and3A_180 = arith.constant 15 : i32
        %and3A_181 = vector.broadcast %and3A_180 : i32 to vector<16xi32>
        %and3A_182 = arith.andi %add3A_179, %and3A_181 : vector<16xi32>
        %gather3A_183 = tpu.vector_load_idx %arg12[%and3A_182] : memref<16xi32, #tpu.memory_space<vmem>>[vector<16xi32>], vector<16xi32>,
        %eq3A_184 = arith.cmpi eq, %gather3A_183, %gather3A : vector<16xi32>
        %ge3A_185 = arith.constant 13 : i32
        %ge3A_186 = vector.broadcast %ge3A_185 : i32 to vector<16xi32>
        %ge3A_187 = arith.cmpi sge, %iota3A, %ge3A_186 : vector<16xi32>
        %and3A_188 = arith.andi %eq3A_184, %ge3A_187 : vector<16xi1>
        %or3A_189 = arith.ori %or3A_176, %and3A_188 : vector<16xi1>
        %add3A_190 = arith.constant 2 : i32
        %add3A_191 = vector.broadcast %add3A_190 : i32 to vector<16xi32>
        %add3A_192 = arith.addi %iota3A, %add3A_191 : vector<16xi32>
        %and3A_193 = arith.constant 15 : i32
        %and3A_194 = vector.broadcast %and3A_193 : i32 to vector<16xi32>
        %and3A_195 = arith.andi %add3A_192, %and3A_194 : vector<16xi32>
        %gather3A_196 = tpu.vector_load_idx %arg12[%and3A_195] : memref<16xi32, #tpu.memory_space<vmem>>[vector<16xi32>], vector<16xi32>,
        %eq3A_197 = arith.cmpi eq, %gather3A_196, %gather3A : vector<16xi32>
        %ge3A_198 = arith.constant 14 : i32
        %ge3A_199 = vector.broadcast %ge3A_198 : i32 to vector<16xi32>
        %ge3A_200 = arith.cmpi sge, %iota3A, %ge3A_199 : vector<16xi32>
        %and3A_201 = arith.andi %eq3A_197, %ge3A_200 : vector<16xi1>
        %or3A_202 = arith.ori %or3A_189, %and3A_201 : vector<16xi1>
        %add3A_203 = arith.constant 1 : i32
        %add3A_204 = vector.broadcast %add3A_203 : i32 to vector<16xi32>
        %add3A_205 = arith.addi %iota3A, %add3A_204 : vector<16xi32>
        %and3A_206 = arith.constant 15 : i32
        %and3A_207 = vector.broadcast %and3A_206 : i32 to vector<16xi32>
        %and3A_208 = arith.andi %add3A_205, %and3A_207 : vector<16xi32>
        %gather3A_209 = tpu.vector_load_idx %arg12[%and3A_208] : memref<16xi32, #tpu.memory_space<vmem>>[vector<16xi32>], vector<16xi32>,
        %eq3A_210 = arith.cmpi eq, %gather3A_209, %gather3A : vector<16xi32>
        %ge3A_211 = arith.constant 15 : i32
        %ge3A_212 = vector.broadcast %ge3A_211 : i32 to vector<16xi32>
        %ge3A_213 = arith.cmpi sge, %iota3A, %ge3A_212 : vector<16xi32>
        %and3A_214 = arith.andi %eq3A_210, %ge3A_213 : vector<16xi1>
        %or3A_215 = arith.ori %or3A_202, %and3A_214 : vector<16xi1>
        %eq3A_216 = arith.constant 1 : i32
        %eq3A_217 = vector.broadcast %eq3A_216 : i32 to vector<16xi32>
        %eq3A_218 = arith.cmpi eq, %gather3A_19, %eq3A_217 : vector<16xi32>
        %eq3A_219 = arith.constant 0 : i32
        %eq3A_220 = vector.broadcast %eq3A_219 : i32 to vector<16xi32>
        %eq3A_221 = arith.cmpi eq, %gather3A_20, %eq3A_220 : vector<16xi32>
        %and3A_222 = arith.andi %eq3A_218, %eq3A_221 : vector<16xi1>
        %not3A = arith.constant dense<true> : vector<16xi1>
        %not3A_223 = arith.xori %or3A_215, %not3A : vector<16xi1>
        %and3A_224 = arith.andi %and3A_222, %not3A_223 : vector<16xi1>
        tpu.vector_store_idx %arg10[%gather3A], %broadcast_in_dim3A_4 masked %and3A_224 : memref<5120xi32, #tpu.memory_space<vmem>>[vector<16xi32>], vector<16xi32>, vector<16xi1>
        %jit3A = arith.constant -1 : i32
        %broadcast_in_dim3A_225 = vector.broadcast %jit3A : i32 to vector<16xi32>
        %select_n3A = arith.select %and3A_224, %gather3A, %broadcast_in_dim3A_225 : vector<16xi1>, vector<16xi32>
        tpu.vector_store_idx %arg11[%get3A_18], %select_n3A : memref<5120xi32, #tpu.memory_space<vmem>>[vector<16xi32>], vector<16xi32>,
      }
      %scan3A_15 = arith.constant 320 : i32
      "tpu.region"() ({
        %run_scoped3A = tpu.sem_alloc : memref<!tpu.dma_semaphore, #tpu.memory_space<semaphore_mem>>
        tpu.enqueue_dma source(%arg11 : memref<5120xi32, #tpu.memory_space<vmem>>) target(%arg5 : memref<5120xi32, #tpu.memory_space<hbm>>) target_semaphore(%run_scoped3A : memref<!tpu.dma_semaphore, #tpu.memory_space<semaphore_mem>>)
        tpu.wait_dma2 semaphore(%run_scoped3A : memref<!tpu.dma_semaphore, #tpu.memory_space<semaphore_mem>>) src(%arg11 : memref<5120xi32, #tpu.memory_space<vmem>>) dst(%arg5 : memref<5120xi32, #tpu.memory_space<hbm>>)
        tpu.yield
      }) : () -> ()
    } else {
    }
    return
  }
}

module attributes {stable_mosaic.version = 14 : i64} {
  func.func @_sim_body(%arg0: i32, %arg1: memref<512x28xf32, #tpu.memory_space<vmem>>, %arg2: memref<512x28xf32, #tpu.memory_space<vmem>>, %arg3: memref<5000x28xf32, #tpu.memory_space<vmem>>, %arg4: memref<5000x28xf32, #tpu.memory_space<vmem>>, %arg5: memref<512x5000xf32, #tpu.memory_space<vmem>>, %arg6: memref<512x1xf32, #tpu.memory_space<vmem>>, %arg7: memref<512x1xi32, #tpu.memory_space<vmem>>) attributes {dimension_semantics = [#tpu.dimension_semantics<arbitrary>], iteration_bounds = array<i64: 10>, scalar_prefetch = 0 : i64, scratch_operands = 0 : i64, tpu.core_type = #tpu.core_type<tc>, window_params = [{transform_indices = @transform_0, window_bounds = array<i64: 512, 28>}, {transform_indices = @transform_1, window_bounds = array<i64: 512, 28>}, {pipeline_mode = #tpu.pipeline_mode<synchronous>, transform_indices = @transform_2, window_bounds = array<i64: 5000, 28>}, {pipeline_mode = #tpu.pipeline_mode<synchronous>, transform_indices = @transform_3, window_bounds = array<i64: 5000, 28>}, {transform_indices = @transform_4, window_bounds = array<i64: 512, 5000>}, {transform_indices = @transform_5, window_bounds = array<i64: 512, 1>}, {transform_indices = @transform_6, window_bounds = array<i64: 512, 1>}]} {
    %get3A = arith.constant 0 : index
    %get3A_0 = arith.constant 0 : index
    %get3A_1 = vector.load %arg1[%get3A, %get3A_0] : memref<512x28xf32, #tpu.memory_space<vmem>>, vector<512x28xf32>
    %get3A_2 = arith.constant 0 : index
    %get3A_3 = arith.constant 0 : index
    %get3A_4 = vector.load %arg2[%get3A_2, %get3A_3] : memref<512x28xf32, #tpu.memory_space<vmem>>, vector<512x28xf32>
    %get3A_5 = arith.constant 0 : index
    %get3A_6 = arith.constant 0 : index
    %get3A_7 = vector.load %arg3[%get3A_5, %get3A_6] : memref<5000x28xf32, #tpu.memory_space<vmem>>, vector<5000x28xf32>
    %get3A_8 = arith.constant 0 : index
    %get3A_9 = arith.constant 0 : index
    %get3A_10 = vector.load %arg4[%get3A_8, %get3A_9] : memref<5000x28xf32, #tpu.memory_space<vmem>>, vector<5000x28xf32>
    %dot_general3A = arith.constant dense<0.000000e+00> : vector<512x5000xf32>
    %dot_general3A_11 = tpu.matmul %get3A_1, %get3A_7, %dot_general3A {dimension_numbers = #tpu.dot_dimension_numbers<[1], [1], [0], [0], [0, 0, 1, 0], [], []>, transpose_lhs_hint = false} : vector<512x28xf32>, vector<5000x28xf32>, vector<512x5000xf32> -> vector<512x5000xf32>
    %dot_general3A_12 = arith.constant dense<0.000000e+00> : vector<512x5000xf32>
    %dot_general3A_13 = tpu.matmul %get3A_4, %get3A_10, %dot_general3A_12 {dimension_numbers = #tpu.dot_dimension_numbers<[1], [1], [0], [0], [0, 0, 1, 0], [], []>, transpose_lhs_hint = false} : vector<512x28xf32>, vector<5000x28xf32>, vector<512x5000xf32> -> vector<512x5000xf32>
    %add3A = arith.addf %dot_general3A_11, %dot_general3A_13 : vector<512x5000xf32>
    %swap3A = arith.constant 0 : index
    %swap3A_14 = arith.constant 0 : index
    %swap3A_15 = vector.load %arg5[%swap3A, %swap3A_14] : memref<512x5000xf32, #tpu.memory_space<vmem>>, vector<512x5000xf32>
    tpu.vector_store %arg5[%swap3A, %swap3A_14], %add3A {strides = array<i32>} : memref<512x5000xf32, #tpu.memory_space<vmem>>, vector<512x5000xf32>,
    %reduce_max3A = arith.constant dense<0xFF800000> : vector<512xf32>
    %reduce_max3A_16 = vector.multi_reduction <maximumf>, %add3A, %reduce_max3A [1] : vector<512x5000xf32> to vector<512xf32>
    %broadcast_in_dim3A = vector.shape_cast %reduce_max3A_16 : vector<512xf32> to vector<512x1xf32>
    %swap3A_17 = arith.constant 0 : index
    %swap3A_18 = arith.constant 0 : index
    %swap3A_19 = vector.load %arg6[%swap3A_17, %swap3A_18] : memref<512x1xf32, #tpu.memory_space<vmem>>, vector<512x1xf32>
    tpu.vector_store %arg6[%swap3A_17, %swap3A_18], %broadcast_in_dim3A {strides = array<i32>} : memref<512x1xf32, #tpu.memory_space<vmem>>, vector<512x1xf32>,
    %iota3A = tpu.iota {dimensions = array<i32: 1>} : vector<512x5000xi32>
    %eq3A = vector.broadcast %broadcast_in_dim3A : vector<512x1xf32> to vector<512x5000xf32>
    %eq3A_20 = arith.cmpf oeq, %add3A, %eq3A : vector<512x5000xf32>
    %jit3A = arith.constant 5000 : i32
    %broadcast_in_dim3A_21 = vector.broadcast %jit3A : i32 to vector<512x5000xi32>
    %select_n3A = arith.select %eq3A_20, %iota3A, %broadcast_in_dim3A_21 : vector<512x5000xi1>, vector<512x5000xi32>
    %reduce_min3A = arith.constant dense<2147483647> : vector<512xi32>
    %reduce_min3A_22 = vector.multi_reduction <minsi>, %select_n3A, %reduce_min3A [1] : vector<512x5000xi32> to vector<512xi32>
    %broadcast_in_dim3A_23 = vector.shape_cast %reduce_min3A_22 : vector<512xi32> to vector<512x1xi32>
    %swap3A_24 = arith.constant 0 : index
    %swap3A_25 = arith.constant 0 : index
    %swap3A_26 = vector.load %arg7[%swap3A_24, %swap3A_25] : memref<512x1xi32, #tpu.memory_space<vmem>>, vector<512x1xi32>
    tpu.vector_store %arg7[%swap3A_24, %swap3A_25], %broadcast_in_dim3A_23 {strides = array<i32>} : memref<512x1xi32, #tpu.memory_space<vmem>>, vector<512x1xi32>,
    return
  }
  func.func @transform_0(%arg0: i32) -> (i32, i32) {
    %c0_i32 = arith.constant 0 : i32
    %c0_i32_0 = arith.constant 0 : i32
    return %arg0, %c0_i32 : i32, i32
  }
  func.func @transform_1(%arg0: i32) -> (i32, i32) {
    %c0_i32 = arith.constant 0 : i32
    %c0_i32_0 = arith.constant 0 : i32
    return %arg0, %c0_i32 : i32, i32
  }
  func.func @transform_2(%arg0: i32) -> (i32, i32) {
    %c0_i32 = arith.constant 0 : i32
    %c0_i32_0 = arith.constant 0 : i32
    %c0_i32_1 = arith.constant 0 : i32
    return %c0_i32, %c0_i32_0 : i32, i32
  }
  func.func @transform_3(%arg0: i32) -> (i32, i32) {
    %c0_i32 = arith.constant 0 : i32
    %c0_i32_0 = arith.constant 0 : i32
    %c0_i32_1 = arith.constant 0 : i32
    return %c0_i32, %c0_i32_0 : i32, i32
  }
  func.func @transform_4(%arg0: i32) -> (i32, i32) {
    %c0_i32 = arith.constant 0 : i32
    %c0_i32_0 = arith.constant 0 : i32
    return %arg0, %c0_i32 : i32, i32
  }
  func.func @transform_5(%arg0: i32) -> (i32, i32) {
    %c0_i32 = arith.constant 0 : i32
    %c0_i32_0 = arith.constant 0 : i32
    return %arg0, %c0_i32 : i32, i32
  }
  func.func @transform_6(%arg0: i32) -> (i32, i32) {
    %c0_i32 = arith.constant 0 : i32
    %c0_i32_0 = arith.constant 0 : i32
    return %arg0, %c0_i32 : i32, i32
  }
}

module attributes {stable_mosaic.version = 14 : i64} {
  func.func @_encode_body(%arg0: memref<5000x4xf32, #tpu.memory_space<vmem>>, %arg1: memref<5000x4xf32, #tpu.memory_space<vmem>>, %arg2: memref<4x64xf32, #tpu.memory_space<vmem>>, %arg3: memref<1x64xf32, #tpu.memory_space<vmem>>, %arg4: memref<64x28xf32, #tpu.memory_space<vmem>>, %arg5: memref<1x28xf32, #tpu.memory_space<vmem>>, %arg6: memref<5000x28xf32, #tpu.memory_space<vmem>>, %arg7: memref<5000x28xf32, #tpu.memory_space<vmem>>, %arg8: memref<5000x28xf32, #tpu.memory_space<vmem>>, %arg9: memref<5000x28xf32, #tpu.memory_space<vmem>>) attributes {dimension_semantics = [], scalar_prefetch = 0 : i64, scratch_operands = 0 : i64, tpu.core_type = #tpu.core_type<tc>} {
    %broadcast_in_dim3A = arith.constant 2.000000e+00 : f32
    %broadcast_in_dim3A_0 = vector.broadcast %broadcast_in_dim3A : f32 to vector<4xf32>
    %broadcast_in_dim3A_1 = arith.constant 6.000000e+00 : f32
    %broadcast_in_dim3A_2 = vector.broadcast %broadcast_in_dim3A_1 : f32 to vector<8xf32>
    %broadcast_in_dim3A_3 = arith.constant 4.000000e+01 : f32
    %broadcast_in_dim3A_4 = vector.broadcast %broadcast_in_dim3A_3 : f32 to vector<16xf32>
    %concatenate3A = tpu.concatenate %broadcast_in_dim3A_0, %broadcast_in_dim3A_2, %broadcast_in_dim3A_4 in 0 : vector<4xf32>, vector<8xf32>, vector<16xf32> -> vector<28xf32>
    %get3A = arith.constant 0 : index
    %get3A_5 = arith.constant 0 : index
    %get3A_6 = vector.load %arg2[%get3A, %get3A_5] : memref<4x64xf32, #tpu.memory_space<vmem>>, vector<4x64xf32>
    %get3A_7 = arith.constant 0 : index
    %get3A_8 = arith.constant 0 : index
    %get3A_9 = vector.load %arg3[%get3A_7, %get3A_8] : memref<1x64xf32, #tpu.memory_space<vmem>>, vector<1x64xf32>
    %get3A_10 = arith.constant 0 : index
    %get3A_11 = arith.constant 0 : index
    %get3A_12 = vector.load %arg4[%get3A_10, %get3A_11] : memref<64x28xf32, #tpu.memory_space<vmem>>, vector<64x28xf32>
    %get3A_13 = arith.constant 0 : index
    %get3A_14 = arith.constant 0 : index
    %get3A_15 = vector.load %arg5[%get3A_13, %get3A_14] : memref<1x28xf32, #tpu.memory_space<vmem>>, vector<1x28xf32>
    %get3A_16 = arith.constant 0 : index
    %get3A_17 = arith.constant 0 : index
    %get3A_18 = vector.load %arg0[%get3A_16, %get3A_17] : memref<5000x4xf32, #tpu.memory_space<vmem>>, vector<5000x4xf32>
    %dot_general3A = arith.constant dense<0.000000e+00> : vector<5000x64xf32>
    %dot_general3A_19 = tpu.matmul %get3A_18, %get3A_6, %dot_general3A {dimension_numbers = #tpu.dot_dimension_numbers<[1], [0], [0], [1], [0, 0, 1, 1], [], []>, transpose_lhs_hint = false} : vector<5000x4xf32>, vector<4x64xf32>, vector<5000x64xf32> -> vector<5000x64xf32>
    %add3A = vector.broadcast %get3A_9 : vector<1x64xf32> to vector<5000x64xf32>
    %add3A_20 = arith.addf %dot_general3A_19, %add3A : vector<5000x64xf32>
    %max3A = arith.constant 0.000000e+00 : f32
    %max3A_21 = vector.broadcast %max3A : f32 to vector<5000x64xf32>
    %max3A_22 = arith.maximumf %add3A_20, %max3A_21 : vector<5000x64xf32>
    %dot_general3A_23 = arith.constant dense<0.000000e+00> : vector<5000x28xf32>
    %dot_general3A_24 = tpu.matmul %max3A_22, %get3A_12, %dot_general3A_23 {dimension_numbers = #tpu.dot_dimension_numbers<[1], [0], [0], [1], [0, 0, 1, 1], [], []>, transpose_lhs_hint = false} : vector<5000x64xf32>, vector<64x28xf32>, vector<5000x28xf32> -> vector<5000x28xf32>
    %add3A_25 = vector.broadcast %get3A_15 : vector<1x28xf32> to vector<5000x28xf32>
    %add3A_26 = arith.addf %dot_general3A_24, %add3A_25 : vector<5000x28xf32>
    %jit3A = arith.constant 6.28318548 : f32
    %rem3A = vector.broadcast %jit3A : f32 to vector<5000x28xf32>
    %rem3A_27 = arith.remf %add3A_26, %rem3A : vector<5000x28xf32>
    %ne3A = arith.constant 0.000000e+00 : f32
    %ne3A_28 = vector.broadcast %ne3A : f32 to vector<5000x28xf32>
    %ne3A_29 = arith.cmpf one, %rem3A_27, %ne3A_28 : vector<5000x28xf32>
    %lt3A = arith.constant 0.000000e+00 : f32
    %lt3A_30 = vector.broadcast %lt3A : f32 to vector<5000x28xf32>
    %lt3A_31 = arith.cmpf olt, %rem3A_27, %lt3A_30 : vector<5000x28xf32>
    %lt3A_32 = arith.constant 0.000000e+00 : f32
    %lt3A_33 = arith.cmpf olt, %jit3A, %lt3A_32 : f32
    %ne3A_34 = vector.broadcast %lt3A_33 : i1 to vector<5000x28xi1>
    %ne3A_35 = vector.broadcast %ne3A_34 : vector<5000x28xi1> to vector<5000x28xi1>
    %ne3A_36 = arith.xori %lt3A_31, %ne3A_35 : vector<5000x28xi1>
    %and3A = arith.andi %ne3A_36, %ne3A_29 : vector<5000x28xi1>
    %add3A_37 = vector.broadcast %jit3A : f32 to vector<5000x28xf32>
    %add3A_38 = arith.addf %rem3A_27, %add3A_37 : vector<5000x28xf32>
    %select_n3A = arith.select %and3A, %add3A_38, %rem3A_27 : vector<5000x28xi1>, vector<5000x28xf32>
    %get3A_39 = arith.constant 0 : index
    %get3A_40 = arith.constant 0 : index
    %get3A_41 = vector.load %arg1[%get3A_39, %get3A_40] : memref<5000x4xf32, #tpu.memory_space<vmem>>, vector<5000x4xf32>
    %dot_general3A_42 = arith.constant dense<0.000000e+00> : vector<5000x64xf32>
    %dot_general3A_43 = tpu.matmul %get3A_41, %get3A_6, %dot_general3A_42 {dimension_numbers = #tpu.dot_dimension_numbers<[1], [0], [0], [1], [0, 0, 1, 1], [], []>, transpose_lhs_hint = false} : vector<5000x4xf32>, vector<4x64xf32>, vector<5000x64xf32> -> vector<5000x64xf32>
    %add3A_44 = vector.broadcast %get3A_9 : vector<1x64xf32> to vector<5000x64xf32>
    %add3A_45 = arith.addf %dot_general3A_43, %add3A_44 : vector<5000x64xf32>
    %max3A_46 = arith.constant 0.000000e+00 : f32
    %max3A_47 = vector.broadcast %max3A_46 : f32 to vector<5000x64xf32>
    %max3A_48 = arith.maximumf %add3A_45, %max3A_47 : vector<5000x64xf32>
    %dot_general3A_49 = arith.constant dense<0.000000e+00> : vector<5000x28xf32>
    %dot_general3A_50 = tpu.matmul %max3A_48, %get3A_12, %dot_general3A_49 {dimension_numbers = #tpu.dot_dimension_numbers<[1], [0], [0], [1], [0, 0, 1, 1], [], []>, transpose_lhs_hint = false} : vector<5000x64xf32>, vector<64x28xf32>, vector<5000x28xf32> -> vector<5000x28xf32>
    %add3A_51 = vector.broadcast %get3A_15 : vector<1x28xf32> to vector<5000x28xf32>
    %add3A_52 = arith.addf %dot_general3A_50, %add3A_51 : vector<5000x28xf32>
    %jit3A_53 = arith.constant 6.28318548 : f32
    %rem3A_54 = vector.broadcast %jit3A_53 : f32 to vector<5000x28xf32>
    %rem3A_55 = arith.remf %add3A_52, %rem3A_54 : vector<5000x28xf32>
    %ne3A_56 = arith.constant 0.000000e+00 : f32
    %ne3A_57 = vector.broadcast %ne3A_56 : f32 to vector<5000x28xf32>
    %ne3A_58 = arith.cmpf one, %rem3A_55, %ne3A_57 : vector<5000x28xf32>
    %lt3A_59 = arith.constant 0.000000e+00 : f32
    %lt3A_60 = vector.broadcast %lt3A_59 : f32 to vector<5000x28xf32>
    %lt3A_61 = arith.cmpf olt, %rem3A_55, %lt3A_60 : vector<5000x28xf32>
    %lt3A_62 = arith.constant 0.000000e+00 : f32
    %lt3A_63 = arith.cmpf olt, %jit3A_53, %lt3A_62 : f32
    %ne3A_64 = vector.broadcast %lt3A_63 : i1 to vector<5000x28xi1>
    %ne3A_65 = vector.broadcast %ne3A_64 : vector<5000x28xi1> to vector<5000x28xi1>
    %ne3A_66 = arith.xori %lt3A_61, %ne3A_65 : vector<5000x28xi1>
    %and3A_67 = arith.andi %ne3A_66, %ne3A_58 : vector<5000x28xi1>
    %add3A_68 = vector.broadcast %jit3A_53 : f32 to vector<5000x28xf32>
    %add3A_69 = arith.addf %rem3A_55, %add3A_68 : vector<5000x28xf32>
    %select_n3A_70 = arith.select %and3A_67, %add3A_69, %rem3A_55 : vector<5000x28xi1>, vector<5000x28xf32>
    %mul3A = arith.constant 6.28318548 : f32
    %mul3A_71 = vector.broadcast %mul3A : f32 to vector<28xf32>
    %mul3A_72 = arith.mulf %mul3A_71, %concatenate3A : vector<28xf32>
    %mul3A_73 = arith.constant 0.00999999977 : f32
    %mul3A_74 = vector.broadcast %mul3A_73 : f32 to vector<28xf32>
    %mul3A_75 = arith.mulf %mul3A_72, %mul3A_74 : vector<28xf32>
    %broadcast_in_dim3A_76 = vector.shape_cast %mul3A_75 : vector<28xf32> to vector<1x28xf32>
    %add3A_77 = vector.broadcast %broadcast_in_dim3A_76 : vector<1x28xf32> to vector<5000x28xf32>
    %add3A_78 = arith.addf %select_n3A, %add3A_77 : vector<5000x28xf32>
    %ge3A = arith.constant 6.28318548 : f32
    %ge3A_79 = vector.broadcast %ge3A : f32 to vector<5000x28xf32>
    %ge3A_80 = arith.cmpf oge, %add3A_78, %ge3A_79 : vector<5000x28xf32>
    %sub3A = arith.constant 6.28318548 : f32
    %sub3A_81 = vector.broadcast %sub3A : f32 to vector<5000x28xf32>
    %sub3A_82 = arith.subf %add3A_78, %sub3A_81 : vector<5000x28xf32>
    %select_n3A_83 = arith.select %ge3A_80, %sub3A_82, %add3A_78 : vector<5000x28xi1>, vector<5000x28xf32>
    %mul3A_84 = arith.constant 6.28318548 : f32
    %mul3A_85 = vector.broadcast %mul3A_84 : f32 to vector<28xf32>
    %mul3A_86 = arith.mulf %mul3A_85, %concatenate3A : vector<28xf32>
    %mul3A_87 = arith.constant 0.00999999977 : f32
    %mul3A_88 = vector.broadcast %mul3A_87 : f32 to vector<28xf32>
    %mul3A_89 = arith.mulf %mul3A_86, %mul3A_88 : vector<28xf32>
    %broadcast_in_dim3A_90 = vector.shape_cast %mul3A_89 : vector<28xf32> to vector<1x28xf32>
    %add3A_91 = vector.broadcast %broadcast_in_dim3A_90 : vector<1x28xf32> to vector<5000x28xf32>
    %add3A_92 = arith.addf %select_n3A_83, %add3A_91 : vector<5000x28xf32>
    %ge3A_93 = arith.constant 6.28318548 : f32
    %ge3A_94 = vector.broadcast %ge3A_93 : f32 to vector<5000x28xf32>
    %ge3A_95 = arith.cmpf oge, %add3A_92, %ge3A_94 : vector<5000x28xf32>
    %sub3A_96 = arith.constant 6.28318548 : f32
    %sub3A_97 = vector.broadcast %sub3A_96 : f32 to vector<5000x28xf32>
    %sub3A_98 = arith.subf %add3A_92, %sub3A_97 : vector<5000x28xf32>
    %select_n3A_99 = arith.select %ge3A_95, %sub3A_98, %add3A_92 : vector<5000x28xi1>, vector<5000x28xf32>
    %mul3A_100 = arith.constant 6.28318548 : f32
    %mul3A_101 = vector.broadcast %mul3A_100 : f32 to vector<28xf32>
    %mul3A_102 = arith.mulf %mul3A_101, %concatenate3A : vector<28xf32>
    %mul3A_103 = arith.constant 0.00999999977 : f32
    %mul3A_104 = vector.broadcast %mul3A_103 : f32 to vector<28xf32>
    %mul3A_105 = arith.mulf %mul3A_102, %mul3A_104 : vector<28xf32>
    %broadcast_in_dim3A_106 = vector.shape_cast %mul3A_105 : vector<28xf32> to vector<1x28xf32>
    %add3A_107 = vector.broadcast %broadcast_in_dim3A_106 : vector<1x28xf32> to vector<5000x28xf32>
    %add3A_108 = arith.addf %select_n3A_99, %add3A_107 : vector<5000x28xf32>
    %ge3A_109 = arith.constant 6.28318548 : f32
    %ge3A_110 = vector.broadcast %ge3A_109 : f32 to vector<5000x28xf32>
    %ge3A_111 = arith.cmpf oge, %add3A_108, %ge3A_110 : vector<5000x28xf32>
    %sub3A_112 = arith.constant 6.28318548 : f32
    %sub3A_113 = vector.broadcast %sub3A_112 : f32 to vector<5000x28xf32>
    %sub3A_114 = arith.subf %add3A_108, %sub3A_113 : vector<5000x28xf32>
    %select_n3A_115 = arith.select %ge3A_111, %sub3A_114, %add3A_108 : vector<5000x28xi1>, vector<5000x28xf32>
    %mul3A_116 = arith.constant 6.28318548 : f32
    %mul3A_117 = vector.broadcast %mul3A_116 : f32 to vector<28xf32>
    %mul3A_118 = arith.mulf %mul3A_117, %concatenate3A : vector<28xf32>
    %mul3A_119 = arith.constant 0.00999999977 : f32
    %mul3A_120 = vector.broadcast %mul3A_119 : f32 to vector<28xf32>
    %mul3A_121 = arith.mulf %mul3A_118, %mul3A_120 : vector<28xf32>
    %broadcast_in_dim3A_122 = vector.shape_cast %mul3A_121 : vector<28xf32> to vector<1x28xf32>
    %add3A_123 = vector.broadcast %broadcast_in_dim3A_122 : vector<1x28xf32> to vector<5000x28xf32>
    %add3A_124 = arith.addf %select_n3A_115, %add3A_123 : vector<5000x28xf32>
    %ge3A_125 = arith.constant 6.28318548 : f32
    %ge3A_126 = vector.broadcast %ge3A_125 : f32 to vector<5000x28xf32>
    %ge3A_127 = arith.cmpf oge, %add3A_124, %ge3A_126 : vector<5000x28xf32>
    %sub3A_128 = arith.constant 6.28318548 : f32
    %sub3A_129 = vector.broadcast %sub3A_128 : f32 to vector<5000x28xf32>
    %sub3A_130 = arith.subf %add3A_124, %sub3A_129 : vector<5000x28xf32>
    %select_n3A_131 = arith.select %ge3A_127, %sub3A_130, %add3A_124 : vector<5000x28xi1>, vector<5000x28xf32>
    %mul3A_132 = arith.constant 6.28318548 : f32
    %mul3A_133 = vector.broadcast %mul3A_132 : f32 to vector<28xf32>
    %mul3A_134 = arith.mulf %mul3A_133, %concatenate3A : vector<28xf32>
    %mul3A_135 = arith.constant 0.00999999977 : f32
    %mul3A_136 = vector.broadcast %mul3A_135 : f32 to vector<28xf32>
    %mul3A_137 = arith.mulf %mul3A_134, %mul3A_136 : vector<28xf32>
    %broadcast_in_dim3A_138 = vector.shape_cast %mul3A_137 : vector<28xf32> to vector<1x28xf32>
    %add3A_139 = vector.broadcast %broadcast_in_dim3A_138 : vector<1x28xf32> to vector<5000x28xf32>
    %add3A_140 = arith.addf %select_n3A_131, %add3A_139 : vector<5000x28xf32>
    %ge3A_141 = arith.constant 6.28318548 : f32
    %ge3A_142 = vector.broadcast %ge3A_141 : f32 to vector<5000x28xf32>
    %ge3A_143 = arith.cmpf oge, %add3A_140, %ge3A_142 : vector<5000x28xf32>
    %sub3A_144 = arith.constant 6.28318548 : f32
    %sub3A_145 = vector.broadcast %sub3A_144 : f32 to vector<5000x28xf32>
    %sub3A_146 = arith.subf %add3A_140, %sub3A_145 : vector<5000x28xf32>
    %select_n3A_147 = arith.select %ge3A_143, %sub3A_146, %add3A_140 : vector<5000x28xi1>, vector<5000x28xf32>
    %cos3A = math.cos %select_n3A_147 : vector<5000x28xf32>
    %sin3A = math.sin %select_n3A_147 : vector<5000x28xf32>
    %mul3A_148 = arith.mulf %cos3A, %cos3A : vector<5000x28xf32>
    %mul3A_149 = arith.mulf %sin3A, %sin3A : vector<5000x28xf32>
    %add3A_150 = arith.addf %mul3A_148, %mul3A_149 : vector<5000x28xf32>
    %reduce_sum3A = arith.constant dense<0.000000e+00> : vector<5000xf32>
    %reduce_sum3A_151 = vector.multi_reduction <add>, %add3A_150, %reduce_sum3A [1] : vector<5000x28xf32> to vector<5000xf32>
    %broadcast_in_dim3A_152 = vector.shape_cast %reduce_sum3A_151 : vector<5000xf32> to vector<5000x1xf32>
    %sqrt3A = math.sqrt %broadcast_in_dim3A_152 : vector<5000x1xf32>
    %add3A_153 = arith.constant 9.99999997E-7 : f32
    %add3A_154 = vector.broadcast %add3A_153 : f32 to vector<5000x1xf32>
    %add3A_155 = arith.addf %sqrt3A, %add3A_154 : vector<5000x1xf32>
    %div3A = vector.broadcast %add3A_155 : vector<5000x1xf32> to vector<5000x28xf32>
    %div3A_156 = arith.divf %cos3A, %div3A : vector<5000x28xf32>
    %div3A_157 = vector.broadcast %add3A_155 : vector<5000x1xf32> to vector<5000x28xf32>
    %div3A_158 = arith.divf %sin3A, %div3A_157 : vector<5000x28xf32>
    %swap3A = arith.constant 0 : index
    %swap3A_159 = arith.constant 0 : index
    %swap3A_160 = vector.load %arg6[%swap3A, %swap3A_159] : memref<5000x28xf32, #tpu.memory_space<vmem>>, vector<5000x28xf32>
    tpu.vector_store %arg6[%swap3A, %swap3A_159], %div3A_156 {strides = array<i32>} : memref<5000x28xf32, #tpu.memory_space<vmem>>, vector<5000x28xf32>,
    %swap3A_161 = arith.constant 0 : index
    %swap3A_162 = arith.constant 0 : index
    %swap3A_163 = vector.load %arg7[%swap3A_161, %swap3A_162] : memref<5000x28xf32, #tpu.memory_space<vmem>>, vector<5000x28xf32>
    tpu.vector_store %arg7[%swap3A_161, %swap3A_162], %div3A_158 {strides = array<i32>} : memref<5000x28xf32, #tpu.memory_space<vmem>>, vector<5000x28xf32>,
    %cos3A_164 = math.cos %select_n3A_70 : vector<5000x28xf32>
    %sin3A_165 = math.sin %select_n3A_70 : vector<5000x28xf32>
    %mul3A_166 = arith.mulf %cos3A_164, %cos3A_164 : vector<5000x28xf32>
    %mul3A_167 = arith.mulf %sin3A_165, %sin3A_165 : vector<5000x28xf32>
    %add3A_168 = arith.addf %mul3A_166, %mul3A_167 : vector<5000x28xf32>
    %reduce_sum3A_169 = arith.constant dense<0.000000e+00> : vector<5000xf32>
    %reduce_sum3A_170 = vector.multi_reduction <add>, %add3A_168, %reduce_sum3A_169 [1] : vector<5000x28xf32> to vector<5000xf32>
    %broadcast_in_dim3A_171 = vector.shape_cast %reduce_sum3A_170 : vector<5000xf32> to vector<5000x1xf32>
    %sqrt3A_172 = math.sqrt %broadcast_in_dim3A_171 : vector<5000x1xf32>
    %add3A_173 = arith.constant 9.99999997E-7 : f32
    %add3A_174 = vector.broadcast %add3A_173 : f32 to vector<5000x1xf32>
    %add3A_175 = arith.addf %sqrt3A_172, %add3A_174 : vector<5000x1xf32>
    %div3A_176 = vector.broadcast %add3A_175 : vector<5000x1xf32> to vector<5000x28xf32>
    %div3A_177 = arith.divf %cos3A_164, %div3A_176 : vector<5000x28xf32>
    %div3A_178 = vector.broadcast %add3A_175 : vector<5000x1xf32> to vector<5000x28xf32>
    %div3A_179 = arith.divf %sin3A_165, %div3A_178 : vector<5000x28xf32>
    %swap3A_180 = arith.constant 0 : index
    %swap3A_181 = arith.constant 0 : index
    %swap3A_182 = vector.load %arg8[%swap3A_180, %swap3A_181] : memref<5000x28xf32, #tpu.memory_space<vmem>>, vector<5000x28xf32>
    tpu.vector_store %arg8[%swap3A_180, %swap3A_181], %div3A_177 {strides = array<i32>} : memref<5000x28xf32, #tpu.memory_space<vmem>>, vector<5000x28xf32>,
    %swap3A_183 = arith.constant 0 : index
    %swap3A_184 = arith.constant 0 : index
    %swap3A_185 = vector.load %arg9[%swap3A_183, %swap3A_184] : memref<5000x28xf32, #tpu.memory_space<vmem>>, vector<5000x28xf32>
    tpu.vector_store %arg9[%swap3A_183, %swap3A_184], %div3A_179 {strides = array<i32>} : memref<5000x28xf32, #tpu.memory_space<vmem>>, vector<5000x28xf32>,
    return
  }
}

module attributes {stable_mosaic.version = 14 : i64} {
  func.func @_rank_body(%arg0: i32, %arg1: memref<512x1xf32, #tpu.memory_space<vmem>>, %arg2: memref<1x5000xf32, #tpu.memory_space<vmem>>, %arg3: memref<512x1xi32, #tpu.memory_space<vmem>>, %arg4: memref<512x1xi32, #tpu.memory_space<vmem>>) attributes {dimension_semantics = [#tpu.dimension_semantics<arbitrary>], iteration_bounds = array<i64: 10>, scalar_prefetch = 0 : i64, scratch_operands = 0 : i64, tpu.core_type = #tpu.core_type<tc>, window_params = [{transform_indices = @transform_0, window_bounds = array<i64: 512, 1>}, {pipeline_mode = #tpu.pipeline_mode<synchronous>, transform_indices = @transform_1, window_bounds = array<i64: 1, 5000>}, {transform_indices = @transform_2, window_bounds = array<i64: 512, 1>}, {transform_indices = @transform_3, window_bounds = array<i64: 512, 1>}]} {
    %get3A = arith.constant 0 : index
    %get3A_0 = arith.constant 0 : index
    %get3A_1 = vector.load %arg1[%get3A, %get3A_0] : memref<512x1xf32, #tpu.memory_space<vmem>>, vector<512x1xf32>
    %get3A_2 = arith.constant 0 : index
    %get3A_3 = arith.constant 0 : index
    %get3A_4 = vector.load %arg2[%get3A_2, %get3A_3] : memref<1x5000xf32, #tpu.memory_space<vmem>>, vector<1x5000xf32>
    %gt3A = vector.broadcast %get3A_4 : vector<1x5000xf32> to vector<512x5000xf32>
    %gt3A_5 = vector.broadcast %get3A_1 : vector<512x1xf32> to vector<512x5000xf32>
    %gt3A_6 = arith.cmpf ogt, %gt3A, %gt3A_5 : vector<512x5000xf32>
    %iota3A = tpu.iota {dimensions = array<i32: 1>} : vector<512x5000xi32>
    %mul3A = arith.constant 512 : i32
    %mul3A_7 = arith.muli %arg0, %mul3A : i32
    %iota3A_8 = tpu.iota {dimensions = array<i32: 0>} : vector<512x5000xi32>
    %add3A = vector.broadcast %mul3A_7 : i32 to vector<512x5000xi32>
    %add3A_9 = arith.addi %add3A, %iota3A_8 : vector<512x5000xi32>
    %eq3A = vector.broadcast %get3A_4 : vector<1x5000xf32> to vector<512x5000xf32>
    %eq3A_10 = vector.broadcast %get3A_1 : vector<512x1xf32> to vector<512x5000xf32>
    %eq3A_11 = arith.cmpf oeq, %eq3A, %eq3A_10 : vector<512x5000xf32>
    %lt3A = arith.cmpi slt, %iota3A, %add3A_9 : vector<512x5000xi32>
    %and3A = arith.andi %eq3A_11, %lt3A : vector<512x5000xi1>
    %or3A = arith.ori %gt3A_6, %and3A : vector<512x5000xi1>
    %convert_element_type3A = arith.extui %or3A : vector<512x5000xi1> to vector<512x5000xi32>
    %reduce_sum3A = arith.constant dense<0> : vector<512xi32>
    %reduce_sum3A_12 = vector.multi_reduction <add>, %convert_element_type3A, %reduce_sum3A [1] : vector<512x5000xi32> to vector<512xi32>
    %broadcast_in_dim3A = vector.shape_cast %reduce_sum3A_12 : vector<512xi32> to vector<512x1xi32>
    %swap3A = arith.constant 0 : index
    %swap3A_13 = arith.constant 0 : index
    %swap3A_14 = vector.load %arg3[%swap3A, %swap3A_13] : memref<512x1xi32, #tpu.memory_space<vmem>>, vector<512x1xi32>
    tpu.vector_store %arg3[%swap3A, %swap3A_13], %broadcast_in_dim3A {strides = array<i32>} : memref<512x1xi32, #tpu.memory_space<vmem>>, vector<512x1xi32>,
    %gt3A_15 = arith.constant 3.000000e-01 : f32
    %gt3A_16 = vector.broadcast %gt3A_15 : f32 to vector<512x1xf32>
    %gt3A_17 = arith.cmpf ogt, %get3A_1, %gt3A_16 : vector<512x1xf32>
    %convert_element_type3A_18 = arith.extui %gt3A_17 : vector<512x1xi1> to vector<512x1xi32>
    %swap3A_19 = arith.constant 0 : index
    %swap3A_20 = arith.constant 0 : index
    %swap3A_21 = vector.load %arg4[%swap3A_19, %swap3A_20] : memref<512x1xi32, #tpu.memory_space<vmem>>, vector<512x1xi32>
    tpu.vector_store %arg4[%swap3A_19, %swap3A_20], %convert_element_type3A_18 {strides = array<i32>} : memref<512x1xi32, #tpu.memory_space<vmem>>, vector<512x1xi32>,
    return
  }
  func.func @transform_0(%arg0: i32) -> (i32, i32) {
    %c0_i32 = arith.constant 0 : i32
    %c0_i32_0 = arith.constant 0 : i32
    return %arg0, %c0_i32 : i32, i32
  }
  func.func @transform_1(%arg0: i32) -> (i32, i32) {
    %c0_i32 = arith.constant 0 : i32
    %c0_i32_0 = arith.constant 0 : i32
    %c0_i32_1 = arith.constant 0 : i32
    return %c0_i32, %c0_i32_0 : i32, i32
  }
  func.func @transform_2(%arg0: i32) -> (i32, i32) {
    %c0_i32 = arith.constant 0 : i32
    %c0_i32_0 = arith.constant 0 : i32
    return %arg0, %c0_i32 : i32, i32
  }
  func.func @transform_3(%arg0: i32) -> (i32, i32) {
    %c0_i32 = arith.constant 0 : i32
    %c0_i32_0 = arith.constant 0 : i32
    return %arg0, %c0_i32 : i32, i32
  }
}

</mosaic_0001>

<sc_bundles>
// kernel: kernel.6.cloned.1.call-start
scs
__scs_entry_jumppad:
0x0: {  	(pc) =	sbr.rel $0x88, $3  }
0x1: {  	(tag) =	ssettag $0x0;
	lr =	simm.s32 $0x1  }
0x2: {  	[smem:$0x3F9B] =	sst lr;
	_ =	strace $0xD0000000  }
0x3: {  	_ = 	snop  }
0x4: {  	_ = 	snop  }
0x5: {  	_ = 	snop  }
0x6: {  	_ = 	snop  }
0x7: {  	_ = 	snop  }
__scs_overlays_trampoline_lowered:
0x8: {  	[smem:$0x3FAA] =	sst s0  }
0x9: {  	[smem:$0x3FAB] =	sst s1  }
0xa: {  	[smem:$0x3FAC] =	sst s2  }
0xb: {  	[smem:$0x3FAD] =	sst s3  }
0xc: {  	[smem:$0x3FAE] =	sst s4  }
0xd: {  	[smem:$0x3FAF] =	sst s5  }
0xe: {  	[smem:$0x3FB0] =	sst s6  }
0xf: {  	[smem:$0x3FB1] =	sst s7  }
0x10: {  	[smem:$0x3FB2] =	sst s8  }
0x11: {  	[smem:$0x3FB3] =	sst s9;
	s0 =	simm.s32 @!p0 $0x0  }
0x12: {  	s1 =	sld [smem:$0x3F99];
	s0 =	simm.s32 @p0 $0x1  }
0x13: {  	[smem:$0x3FB4] =	sst s0;
	s0 =	simm.s32 @!p1 $0x0  }
0x14: {  	s2 =	sld [smem:$0x3F98];
	s0 =	simm.s32 @p1 $0x1  }
0x15: {  	[smem:$0x3FB5] =	sst s0;
	s0 =	simm.s32 @!p2 $0x0  }
0x16: {  	s3 =	sld [smem:$0x3FDB];
	s0 =	simm.s32 @p2 $0x1  }
0x17: {  	s4 =	simm.s32 $0x1BF5;
	[smem:$0x3FB7] =	sst s0  }
0x18: {  	s0 =	sld [smem:$0x3F9A];
	_ =	swait.ge [sflag:s4], $0x0  }
0x19: {  	s7 =	sld [smem:$0x3F9B]  }
0x1a: {  	s8 =	sadd.s32 $0xFFFFE003, lr  }
0x1b: {  	s9 =	sadd.s32 $0xFFFFFEF7, lr;
	s5 =	simm.s32 $0xFFFFFFFF;
	p2 =	slt.u32 s8, $0xFFFFF086  }
0x1c: {  	p1 =	slt.u32 s9, $0xF7A;
	s5 =	simm.s32 @!p2 $0x0  }
0x1d: {  	s5 =	simm.s32 @p1 $0x1;
	p0 =	seq.s32 s7, s2  }
0x1e: {  	s7 =	smul.u32 @!p0 $0xF7A, s2;
	p2 =	seq.s32 @!p0 s5, $0x0  }
0x1f: {  	s9 =	smul.u32 $0xF7A, s1;
	s8 =	simm.s32 @!p0 $0x1BF5;
	p2 =	por !p2, p0  }
0x20: {  	[sflag:s8] =	ssyncset.s32 @!p0 $0xFFFFF086;
	s6 =	sadd.s32 @!p0 s3, s7;
	s7 =	simm.s32 @!p0 $0x108  }
0x21: {  	s3 =	sadd.s32 s3, s9;
	s6 =	sadd.s32 @!p0 $0x88, s6;
	s7 =	simm.s32 @p2 $0x1082  }
0x22: {  	[simem:s7], [sflag:s8] =	dma.local @!p0 [hbm:s6], $0xF7A  }
0x23: {  	s9 =	sor.u32 $0xD0000000, s2;
	s6 =	simm.s32 $0x108;
	_ =	swait.ge @!p0 [sflag:s8], $0x0  }
0x24: {  	s3 =	sadd.s32 $0x88, s3;
	s6 =	simm.s32 @!p1 $0x1082;
	[sflag:s4] =	ssyncset.s32 $0xFFFFF086  }
0x25: {  	[simem:s6], [sflag:s4] =	dma.local [hbm:s3], $0xF7A  }
0x26: {  	[smem:$0x3F9B] =	sst s1;
	(tag) =	ssettag s2;
	_ =	strace s9  }
0x27: {  	s1 =	sld [smem:$0x3FAB]  }
0x28: {  	s2 =	sld [smem:$0x3FAC]  }
0x29: {  	s4 =	sld [smem:$0x3FAE]  }
0x2a: {  	p0 =	seq.s32 s5, $0x0;
	s5 =	sld [smem:$0x3FAF]  }
0x2b: {  	s6 =	sld [smem:$0x3FB0]  }
0x2c: {  	s7 =	sld [smem:$0x3FB1]  }
0x2d: {  	s3 =	simm.s32 $0x108;
	s8 =	sld [smem:$0x3FB2]  }
0x2e: {  	s3 =	simm.s32 @!p0 $0x1082;
	s9 =	sld [smem:$0x3FB3]  }
0x2f: {  	lr =	sadd.s32 s0, s3;
	s0 =	sld [smem:$0x3FAA]  }
0x30: {  	s3 =	sld [smem:$0x3FAD]  }
0x31: {  	[smem:$0x3FB6] =	sst s10  }
0x32: {  	s10 =	sld [smem:$0x3FB4];
	_ =	sdelay $0x3  }
0x33: {  	p0 =	seq.s32 s10, $0x1;
	s10 =	sld [smem:$0x3FB6];
	_ =	sdelay $0x3  }
0x34: {  	[smem:$0x3FB6] =	sst s10  }
0x35: {  	s10 =	sld [smem:$0x3FB5];
	_ =	sdelay $0x3  }
0x36: {  	p1 =	seq.s32 s10, $0x1;
	s10 =	sld [smem:$0x3FB6];
	_ =	sdelay $0x3  }
0x37: {  	[smem:$0x3FB6] =	sst s10  }
0x38: {  	s10 =	sld [smem:$0x3FB7]  }
0x39: {  	_ = 	snop;
	(pc) =	sbr.ind lr, $3  }
0x3a: {  	_ = 	snop  }
0x3b: {  	_ = 	snop  }
0x3c: {  	p2 =	seq.s32 s10, $0x1;
	s10 =	sld [smem:$0x3FB6]  }
0x3d: {  	_ =	shalt  }
0x3e: {  	_ =	shalt  }
0x3f: {  	_ =	shalt  }
0x40: {  	_ =	shalt  }
0x41: {  	_ =	shalt  }
0x42: {  	_ =	shalt  }
0x43: {  	_ =	shalt  }
0x44: {  	_ =	shalt  }
0x45: {  	_ =	shalt  }
0x46: {  	_ =	shalt  }
0x47: {  	_ =	shalt  }
0x48: {  	_ =	shalt  }
0x49: {  	_ =	shalt  }
0x4a: {  	_ =	shalt  }
0x4b: {  	_ =	shalt  }
0x4c: {  	_ =	shalt  }
0x4d: {  	_ =	shalt  }
0x4e: {  	_ =	shalt  }
0x4f: {  	_ =	shalt  }
0x50: {  	_ =	shalt  }
0x51: {  	_ =	shalt  }
0x52: {  	_ =	shalt  }
0x53: {  	_ =	shalt  }
0x54: {  	_ =	shalt  }
0x55: {  	_ =	shalt  }
0x56: {  	_ =	shalt  }
0x57: {  	_ =	shalt  }
0x58: {  	_ =	shalt  }
0x59: {  	_ =	shalt  }
0x5a: {  	_ =	shalt  }
0x5b: {  	_ =	shalt  }
0x5c: {  	_ =	shalt  }
0x5d: {  	_ =	shalt  }
0x5e: {  	_ =	shalt  }
0x5f: {  	_ =	shalt  }
0x60: {  	_ =	shalt  }
0x61: {  	_ =	shalt  }
0x62: {  	_ =	shalt  }
0x63: {  	_ =	shalt  }
0x64: {  	_ =	shalt  }
0x65: {  	_ =	shalt  }
0x66: {  	_ =	shalt  }
0x67: {  	_ =	shalt  }
0x68: {  	_ =	shalt  }
0x69: {  	_ =	shalt  }
0x6a: {  	_ =	shalt  }
0x6b: {  	_ =	shalt  }
0x6c: {  	_ =	shalt  }
0x6d: {  	_ =	shalt  }
0x6e: {  	_ =	shalt  }
0x6f: {  	_ =	shalt  }
0x70: {  	_ =	shalt  }
0x71: {  	_ =	shalt  }
0x72: {  	_ =	shalt  }
0x73: {  	_ =	shalt  }
0x74: {  	_ =	shalt  }
0x75: {  	_ =	shalt  }
0x76: {  	_ =	shalt  }
0x77: {  	_ =	shalt  }
0x78: {  	_ =	shalt  }
0x79: {  	_ =	shalt  }
0x7a: {  	_ =	shalt  }
0x7b: {  	_ =	shalt  }
0x7c: {  	_ =	shalt  }
0x7d: {  	_ =	shalt  }
0x7e: {  	_ =	shalt  }
0x7f: {  	_ =	shalt  }
0x80: {  	_ =	shalt  }
0x81: {  	_ =	shalt  }
0x82: {  	_ =	shalt  }
0x83: {  	_ =	shalt  }
0x84: {  	_ =	shalt  }
0x85: {  	_ =	shalt  }
0x86: {  	_ =	shalt  }
0x87: {  	_ =	shalt  }
.Lfunc_end0:
.L_simem_size_0:
called_computation_lowered:
.L_overlay_start_0:
0x88: {  	s2 =	sld [smem:$0x3FD9]  }
0x89: {  	s3 =	sld [smem:$0x3FFE];
	_ =	sdelay $0x1  }
0x8a: {  	s1 =	srdreg.scid  }
0x8b: {  	s0 =	sand.u32 $0x1, s1  }
0x8c: {  	s14 =	sshll.u32 s0, $0xA;
	s2 =	sadd.s32 s3, s2  }
0x8d: {  	s2 =	sadd.s32 s2, s14  }
0x8e: {  	[smem:$0x3FC2] =	sst s2  }
0x8f: {  	_ = 	snop  }
0x90: {  	s2 =	sld [smem:$0x3FD0];
	_ =	sdelay $0x2  }
0x91: {  	s15 =	simm.s32 $0xA;
	s4 =	simm.s32 $0x10  }
0x92: {  	[smem:s4], [sflag:s15] =	dma.local [hbm:s2], $0x1  }
0x93: {  	_ =	swait.eq [sflag:s15], $0x1  }
0x94: {  	[sflag:s15] =	ssyncset.done $0x0  }
0x95: {  	[sflag:s15] =	ssyncadd.s32 $0xFFFFFFFF  }
0x96: {  	s16 =	sld [smem:$0x10];
	(tm) =	ssettm $0x1  }
0x97: {  	s17 =	sld [smem:$0x3FFB];
	_ =	sdelay $0x3  }
0x98: {  	_ =	strace s17  }
0x99: {  	s3 =	sld [smem:$0x3FFC];
	_ =	sdelay $0x3  }
0x9a: {  	_ =	strace s3  }
0x9b: {  	s3 =	sld [smem:$0x3FFD];
	_ =	sdelay $0x3  }
0x9c: {  	_ =	strace s3  }
0x9d: {  	_ =	strace $0x8FFFFFFF  }
0x9e: {  	s18 =	sld [smem:$0x3FDB];
	_ =	sdelay $0x1  }
0x9f: {  	s19 =	simm.s32 $_scs_section_size  }
0xa0: {  	s5 =	simm.s32 $_size__tile_overlayer_lowered;
	s6 =	simm.s32 $_tile_overlayer_lowered  }
0xa1: {  	s22 =	simm.s32 $0x1BFF;
	s21 =	sshll.u32 s6, $0x1;
	s3 =	sadd.s32 s19, s18  }
0xa2: {  	s7 =	simm.s32 $0x0;
	s20 =	sshll.u32 s5, $0x1;
	s5 =	sadd.s32 s21, s3  }
0xa3: {  	[timem:s7], [sflag:s22] =	dma.local [hbm:s5], s20  }
0xa4: {  	_ =	swait.ge [sflag:s22], s20  }
0xa5: {  	s4 =	ssub.s32 $0x0, s20;
	[sflag:s22] =	ssyncset.done $0x0  }
0xa6: {  	[sflag:s22] =	ssyncadd.s32 s4;
	_ =	sdelay $0x1  }
0xa7: {  	s23 =	simm.s32 $0x1B8B  }
0xa8: {  	_ =	swait.ge [sflag:s23], $0x1  }
0xa9: {  	[sflag:s23] =	ssyncset.done $0x0  }
0xaa: {  	s25 =	simm.s32 $0x1B8E;
	s24 =	sld [smem:$0x3FFE];
	[sflag:s23] =	ssyncadd.s32 $0xFFFFFFFF  }
0xab: {  	s26 =	simm.s32 $execute0_lowered;
	[smem:$0x3FD2] =	sst s25  }
0xac: {  	s5 =	sshll.u32 s26, $0x1;
	_ =	strace $0x80000046;
	[dreg:$0x1] =	wrdreg $0xFFFFFFFF  }
0xad: {  	s28 =	simm.s32 $_size_execute0_lowered;
	s3 =	sadd.s32 s3, s5;
	[dreg:$0x0] =	wrdreg $0x0  }
0xae: {  	s5 =	sshll.u32 s28, $0x1;
	[dreg:$0x2] =	wrdreg s3  }
0xaf: {  	[dreg:$0x3] =	wrdreg s5  }
0xb0: {  	[dreg:$0x4] =	wrdreg $0xC0  }
0xb1: {  	_ =	task [dreg:s7], $0x5FFFF  }
0xb2: {  	[dreg:$0x1] =	wrdreg $0xFFFFFFFF  }
0xb3: {  	[dreg:$0x0] =	wrdreg $0x60  }
0xb4: {  	[dreg:$0x2] =	wrdreg s24  }
0xb5: {  	[dreg:$0x3] =	wrdreg s16  }
0xb6: {  	[dreg:$0x4] =	wrdreg $0x9  }
0xb7: {  	_ =	task.clear_ibuf [dreg:s7], $0x5FFFF;
	_ =	strace $0x90000046  }
0xb8: {  	s29 =	simm.s32 $0x9;
	_ =	strace $0x80000048  }
0xb9: {  	_ =	swait.ge [sflag:s29], $0x1  }
0xba: {  	[sflag:s29] =	ssyncadd.s32 $0xFFFFFFFF  }
0xbb: {  	_ =	strace $0x90000048  }
0xbc: {  	_ =	sfence  }
0xbd: {  	s30 =	sld [smem:$0x0];
	_ =	sdelay $0x2  }
0xbe: {  	s31 =	sshll.u32 s1, $0xD;
	s1 =	sshrl.u32 s1, $0x2  }
0xbf: {  	s3 =	sand.u32 $0x4000, s31;
	s1 =	sadd.s32 s1, s30  }
0xc0: {  	s0 =	sor.u32 s3, s0;
	s1 =	sshll.u32 s1, $0x11  }
0xc1: {  	s0 =	sor.u32 s1, s0  }
0xc2: {  	s0 =	sadd.s32 $0x8F2B, s0  }
0xc3: {  	[sflag:s0] =	ssyncadd.remote.s32 $0x1  }
0xc4: {  	_ =	sfence.sel $0xFFFF  }
0xc5: {  	[dreg:$0x0] =	wrdreg $0xFFFFFFFF;
	(pc) =	sbr.abs _section_cstart, $3  }
0xc6: {  	[dreg:$0x1] =	wrdreg $0xFFFFFFFF  }
0xc7: {  	_ =	task.clear_ibuf [dreg:s7], $0x2FFFF;
	_ =	strace $0x9FFFFFFF  }
0xc8: {  	(tm) =	ssettm $0x7FFFFFFF  }
0xc9: {  	_ =	shalt  }
tec
execute0_lowered:
.L_overlay_start_1:
0x0: {  	(tag) =	ssettag $0x1  }
0x1: {  	s0 =	srdreg.scid  }
0x2: {  	s4 =	sand.u32 $0x1, s0;
	s0 =	stileid.u32  }
0x3: {  	s5 =	sor.u32 s0, s4  }
0x4: {  	p0 =	sne.s32 s5, $0x0  }
.Ltmp0:
0x5: {  	_ = 	snop;
	(pc) =	sbr.rel @p0 .LBB2_7-.Ltmp0, $4  }
0x6: {  	_ = 	snop  }
0x7: {  	s2 =	rddreg [dreg:$0x0]  }
0x8: {  	s3 =	rddreg [dreg:$0x1]  }
0x9: {  	s1 =	rddreg [dreg:$0x2];
	_ =	strace $0x80000047  }
0xa: {  	v0 =	vimm.s32 $0xEDCBA987  }
0xb: {  	v1 =	vimm.s32 $0x6543210F;
	v3 =	vimm.s32 $0x543210FE;
	v6 =	vimm.s32 $0xBA987654  }
0xc: {  	v7 =	vimm.s32 $0x3210FEDC;
	vm1 =	vcmask $0x3F04;
	vm3 =	vcmask $0x3F08  }
0xd: {  	v8 =	vimm.s32 $0x87654321;
	v19 =	vimm.s32 $0xFEDCBA9;
	vm6 =	vcmask $0x3F14  }
0xe: {  	vm7 =	vcmask $0x3F18;
	vm8 =	vcmask $0x3F1C;
	vm9 =	vcmask $0x3F20  }
0xf: {  	vm10 =	vcmask $0x3F24;
	vm11 =	vcmask $0x3F28;
	vm12 =	vcmask $0x3F2C  }
0x10: {  	vm13 =	vcmask $0x3F30;
	vm14 =	vcmask $0x3F34;
	v0 =	vunpack.c.l.s4.s8 v0  }
0x11: {  	vm4 =	vcmask $0x3F38;
	vm5 =	vcmask $0x3F3C;
	v1 =	vunpack.c.l.s4.s8 v1  }
0x12: {  	v3 =	vunpack.c.l.s4.s8 v3;
	v8 =	vunpack.c.l.s4.s8 v8;
	v9 =	vunpack.c.0.s8.s32 v0  }
0x13: {  	v0 =	vimm.s32 $0xDCBA9876;
	v10 =	vunpack.c.0.s8.s32 v1;
	v1 =	vimm.s32 $0x0  }
0x14: {  	v22 =	vunpack.c.0.s8.s32 v8;
	v8 =	vimm.s32 $0x76543210;
	v2 =	vunpack.c.l.s4.s8 v0  }
0x15: {  	v12 =	vunpack.c.0.s8.s32 v3;
	v8 =	vunpack.c.l.s4.s8 v8;
	v4 =	vcombine.low v10, v9  }
0x16: {  	v10 =	vcombine.low v9, v10;
	v11 =	vunpack.c.0.s8.s32 v2;
	v2 =	vimm.s32 $0xCBA98765  }
0x17: {  	v0 =	vlaneseq.u32;
	v3 =	vunpack.c.l.s4.s8 v2;
	v2 =	vimm.s32 $0x43210FED  }
0x18: {  	v62 =	vunpack.c.0.s8.s32 v8;
	v10 =	vand.u32 $0xF, v10;
	v5 =	vunpack.c.l.s4.s8 v2  }
0x19: {  	v2 =	vand.u32 $0xF, v4;
	v4 =	vunpack.c.l.s4.s8 v6;
	v6 =	vunpack.c.l.s4.s8 v7  }
0x1a: {  	v7 =	vcombine.low v12, v11;
	v11 =	vcombine.low v11, v12;
	v13 =	vunpack.c.0.s8.s32 v3  }
0x1b: {  	v14 =	vunpack.c.0.s8.s32 v5;
	v15 =	vunpack.c.0.s8.s32 v4;
	v16 =	vunpack.c.0.s8.s32 v6  }
0x1c: {  	v3 =	vand.u32 $0xF, v7;
	v6 =	vimm.s32 $0xA9876543;
	v7 =	vimm.s32 $0x210FEDCB  }
0x1d: {  	v11 =	vand.u32 $0xF, v11;
	v6 =	vunpack.c.l.s4.s8 v6;
	v4 =	vcombine.low v14, v13  }
0x1e: {  	v7 =	vunpack.c.l.s4.s8 v7;
	v5 =	vcombine.low v16, v15;
	v12 =	vcombine.low v13, v14  }
0x1f: {  	v13 =	vcombine.low v15, v16;
	v17 =	vunpack.c.0.s8.s32 v6;
	v6 =	vimm.s32 $0x98765432  }
0x20: {  	v18 =	vunpack.c.0.s8.s32 v7;
	v7 =	vimm.s32 $0x10FEDCBA;
	v6 =	vunpack.c.l.s4.s8 v6  }
0x21: {  	v4 =	vand.u32 $0xF, v4;
	v5 =	vand.u32 $0xF, v5;
	v7 =	vunpack.c.l.s4.s8 v7  }
0x22: {  	v12 =	vand.u32 $0xF, v12;
	v14 =	vcombine.low v17, v18;
	v21 =	vunpack.c.0.s8.s32 v6  }
0x23: {  	v6 =	vunpack.c.l.s4.s8 v19;
	v19 =	vunpack.c.0.s8.s32 v7;
	v7 =	vimm.s32 $0xFEDCBA98  }
0x24: {  	v13 =	vand.u32 $0xF, v13;
	v20 =	vcombine.low v18, v17;
	v7 =	vunpack.c.l.s4.s8 v7  }
0x25: {  	s6 =	ssub.s32 $0x2, s4;
	s4 =	sadd.s32 $0x800, s2;
	v17 =	vimm.s32 $0x1;
	v14 =	vand.u32 $0xF, v14;
	v23 =	vunpack.c.0.s8.s32 v6  }
0x26: {  	s5 =	sadd.s32 $0x400, s2;
	s8 =	simm.s32 $0x1;
	s9 =	simm.s32 $0x1400;
	v61 =	vcombine.low v19, v21;
	v15 =	vcombine.low v21, v19;
	v25 =	vunpack.c.0.s8.s32 v7  }
0x27: {  	s10 =	simm.s32 $0x2800;
	s11 =	simm.s32 $0x3C00;
	s12 =	simm.s32 $0x5000;
	v6 =	vand.u32 $0xF, v20;
	v24 =	vcombine.low v23, v22;
	v16 =	vcombine.low v22, v23  }
0x28: {  	s13 =	simm.s32 $0x7800;
	s14 =	simm.s32 $0x6400;
	s7 =	sshrl.u32 s6, $0x1;
	v7 =	vand.u32 $0xF, v61;
	v15 =	vand.u32 $0xF, v15;
	v63 =	vand.u32 $0xF, v25  }
0x29: {  	s15 =	simm.s32 $0x0;
	s6 =	ssub.s32 s6, s7;
	s7 =	simm.s32 $0x0;
	v8 =	vand.u32 $0xF, v24;
	v9 =	vcombine.low v63, v62;
	v16 =	vand.u32 $0xF, v16  }
.LBB2_2:
0x2a: {  	[tilespmem:s7], [sflag:$0x1] =	stream.linear.gather [hbm4b:s4+s7], $0x1400, $0x38;
	[tilespmem:$0x7880] =	vst v63  }
0x2b: {  	_ =	swait.ge [sflag:s8], $0x1400  }
0x2c: {  	[sflag:s8] =	ssyncset.done $0x0  }
0x2d: {  	[sflag:s8] =	ssyncadd.s32 $0xFFFFEC00  }
0x2e: {  	[tilespmem:s9], [sflag:$0x1] =	stream.linear.gather [hbm4b:s5+s7], $0x1400, $0x38;
	[tilespmem:$0x7880] =	vst v63  }
0x2f: {  	_ =	swait.ge [sflag:s8], $0x1400  }
0x30: {  	[sflag:s8] =	ssyncset.done $0x0  }
0x31: {  	[sflag:s8] =	ssyncadd.s32 $0xFFFFEC00  }
0x32: {  	[tilespmem:s10], [sflag:$0x1] =	stream.linear.gather [hbm4b:s2+s7], $0x1400, $0x38;
	[tilespmem:$0x7880] =	vst v63  }
0x33: {  	_ =	swait.ge [sflag:s8], $0x1400  }
0x34: {  	s16 =	simm.s32 $0x5000;
	[sflag:s8] =	ssyncset.done $0x0  }
0x35: {  	s17 =	simm.s32 $0x0;
	s18 =	simm.s32 $0x0;
	[sflag:s8] =	ssyncadd.s32 $0xFFFFEC00  }
.LBB2_3:
0x36: {  	v18 =	vld [tilespmem:s17+$0x0];
	_ =	sdelay $0x3  }
0x37: {  	p0 =	sne.s32 s18, $0x13F0  }
.Ltmp1:
0x38: {  	_ = 	snop;
	(pc) =	sbr.rel @p0 .LBB2_3-.Ltmp1, $4  }
0x39: {  	_ = 	snop  }
0x3a: {  	v19 =	vor.u32 s18, v0  }
0x3b: {  	[tilespmem:v18+s11+$0x0] =	vst.idx.msk $0xffff, v19  }
0x3c: {  	s17 =	sadd.s32 $0x10, s17;
	s18 =	sadd.s32 $0x10, s18;
	[tilespmem:s16+$0x0] =	vst v1;
	s16 =	sadd.s32 $0x10, s16  }
0x3d: {  	s16 =	simm.s32 $0x0  }
.LBB2_5:
0x3e: {  	s17 =	sshra.s32 s16, $0x2  }
0x3f: {  	v18 =	vld [tilespmem:s17+$0x3C00];
	_ =	sdelay $0x7  }
0x40: {  	v19 =	vld.idx.msk [tilespmem:v18+s9+$0x0], $0xffff;
	_ =	sdelay $0x6  }
0x41: {  	v20 =	vld.idx.msk [tilespmem:v18+s10+$0x0], $0xffff  }
0x42: {  	v21 =	vld.idx.msk [tilespmem:v19+s12+$0x0], $0xffff;
	[tilespmem:$0x7800] =	vst v19  }
0x43: {  	v22 =	vld.idx.msk [tilespmem:v2+s13+$0x0], $0xffff  }
0x44: {  	v23 =	vld.idx.msk [tilespmem:v3+s13+$0x0], $0xffff;
	_ =	sdelay $0x1  }
0x45: {  	v24 =	vld.idx.msk [tilespmem:v4+s13+$0x0], $0xffff;
	_ =	sdelay $0x1  }
0x46: {  	v25 =	vld.idx.msk [tilespmem:v5+s13+$0x0], $0xffff  }
0x47: {  	v26 =	vld.idx.msk [tilespmem:v6+s13+$0x0], $0xffff;
	vm15 =	veq.s32 v22, v19;
	vm0 =	veq.s32 v23, v19  }
0x48: {  	vm2 =	vmmov vm1;
	v27 =	vld.idx.msk [tilespmem:v7+s13+$0x0], $0xffff;
	vm15 =	vmand vm15, vm1;
	vm0 =	vmand vm0, vm3  }
0x49: {  	v55 =	vld.idx.msk [tilespmem:v8+s13+$0x0], $0xffff;
	vm1 =	veq.s32 v24, v19;
	vm0 =	vmor vm15, vm0;
	vm15 =	vcmask $0x3F0C  }
0x4a: {  	v56 =	vld.idx.msk [tilespmem:v9+s13+$0x0], $0xffff;
	vm1 =	vmand vm1, vm15  }
0x4b: {  	v57 =	vld.idx.msk [tilespmem:v10+s13+$0x0], $0xffff;
	vm15 =	veq.s32 v25, v19;
	vm0 =	vmor vm0, vm1;
	vm1 =	vcmask $0x3F10  }
0x4c: {  	v58 =	vld.idx.msk [tilespmem:v11+s13+$0x0], $0xffff;
	vm1 =	vmand vm15, vm1;
	vm15 =	veq.s32 v26, v19  }
0x4d: {  	v59 =	vld.idx.msk [tilespmem:v12+s13+$0x0], $0xffff;
	vm0 =	vmor vm0, vm1;
	vm1 =	vmand vm15, vm6;
	vm15 =	veq.s32 v27, v19  }
0x4e: {  	v60 =	vld.idx.msk [tilespmem:v13+s13+$0x0], $0xffff;
	vm0 =	vmor vm0, vm1;
	vm1 =	vmand vm15, vm7;
	vm15 =	veq.s32 v55, v19  }
0x4f: {  	v61 =	vld.idx.msk [tilespmem:v14+s13+$0x0], $0xffff;
	vm0 =	vmor vm0, vm1;
	vm1 =	vmand vm15, vm8;
	vm15 =	veq.s32 v56, v19  }
0x50: {  	v62 =	vld.idx.msk [tilespmem:v15+s13+$0x0], $0xffff;
	vm0 =	vmor vm0, vm1;
	vm1 =	vmand vm15, vm9;
	vm15 =	veq.s32 v57, v19  }
0x51: {  	v63 =	vld.idx.msk [tilespmem:v16+s13+$0x0], $0xffff;
	vm0 =	vmor vm0, vm1;
	vm1 =	vmand vm15, vm10;
	vm15 =	veq.s32 v58, v19  }
0x52: {  	vm0 =	vmor vm0, vm1;
	vm1 =	veq.s32 v59, v19;
	vm15 =	vmand vm15, vm11  }
0x53: {  	vm0 =	vmor vm0, vm15;
	vm15 =	veq.s32 v60, v19;
	vm1 =	vmand vm1, vm12  }
0x54: {  	vm0 =	vmor vm0, vm1;
	vm1 =	veq.s32 v61, v19;
	vm15 =	vmand vm15, vm13  }
0x55: {  	vm0 =	vmor vm0, vm15;
	vm15 =	veq.s32 v62, v19;
	vm1 =	vmand vm1, vm14  }
0x56: {  	vm0 =	vmor vm0, vm1;
	vm1 =	vmand vm15, vm4;
	vm15 =	veq.s32 v63, v19  }
0x57: {  	vm0 =	vmor vm0, vm1;
	vm1 =	vmand vm15, vm5  }
0x58: {  	vm15 =	veq.s32 v21, $0x0;
	vm0 =	vmor vm0, vm1;
	vm1 =	veq.s32 v20, $0x1  }
0x59: {  	vm1 =	vmand vm1, vm15;
	vm0 =	vmneg vm0  }
0x5a: {  	vm0 =	vmand vm1, vm0;
	_ =	sdelay $0x1  }
0x5b: {  	p0 =	sne.s32 s16, $0x4FC0  }
.Ltmp2:
0x5c: {  	_ = 	snop;
	(pc) =	sbr.rel @p0 .LBB2_5-.Ltmp2, $3  }
0x5d: {  	_ =	sdelay $0x1  }
0x5e: {  	[tilespmem:v19+s12+$0x0] =	vst.idx.msk vm0, v17;
	v19 =	vnsel vm0, $0xFFFFFFFF, v19  }
0x5f: {  	s16 =	sadd.s32 $0x40, s16;
	vm1 =	vmmov vm2;
	[tilespmem:v18+s14+$0x0] =	vst.idx.msk $0xffff, v19  }
0x60: {  	s15 =	sadd.s32 $0x1, s15  }
0x61: {  	p0 =	sne.s32 s15, s6  }
.Ltmp3:
0x62: {  	_ = 	snop;
	(pc) =	sbr.rel @p0 .LBB2_2-.Ltmp3, $4  }
0x63: {  	[hbm4b:s3+s7] =	stream.linear.scatter [tilespmem:s14], [sflag:$0x1], $0x1400, $0x38;
	[tilespmem:$0x7880] =	vst v63  }
0x64: {  	_ =	swait.ge [sflag:s8], $0x1400  }
0x65: {  	[sflag:s8] =	ssyncset.done $0x0  }
0x66: {  	[sflag:s8] =	ssyncadd.s32 $0xFFFFEC00  }
.LBB2_7:
0x67: {  	_ =	sfence.sel $0x180000  }
0x68: {  	[bflag:$0x0] =	sbarrier.arrive $0xFFFF  }
0x69: {  	p0 =	sne.s32 s0, $0x0;
	_ =	strace $0x90000047  }
0x6a: {  	s0 =	sadd.s32 @!p0 $0x100000, s1;
	[bflag:$0x2] =	sbarrier.arrive $0xFFFF  }
0x6b: {  	[sflag:s0] =	ssyncadd.tile.s32 @!p0 $0x1;
	_ =	shalt  }
.Lfunc_end2:
_tile_overlayer_lowered:
.L_overlay_start_2:
0x6c: {  	(tag) =	ssettag $0x2  }
0x6d: {  	s0 =	rddreg [dreg:$0x0];
	s2 =	stileid.u32  }
0x6e: {  	s1 =	rddreg [dreg:$0x1];
	p0 =	sne.s32 s2, $0x0  }
0x6f: {  	s3 =	rddreg [dreg:$0x2];
	[bflag:$0x3] =	sbarrier.arrive $0xFFFF;
	s2 =	simm.s32 @!p0 $0x1C01  }
0x70: {  	[timem:s3], [sflag:s2] =	dma.local @!p0 [hbm:s0], s1  }
0x71: {  	s0 =	simm.s32 @!p0 $0x1  }
0x72: {  	_ =	swait.ge @!p0 [sflag:s0], s1  }
0x73: {  	s1 =	ssub.s32 @!p0 $0x0, s1;
	[sflag:s0] =	ssyncset.done @!p0 $0x0  }
0x74: {  	[sflag:s0] =	ssyncadd.s32 @!p0 s1  }
0x75: {  	[bflag:$0x3] =	sbarrier.arrive $0xFFFF  }
0x76: {  	_ =	shalt  }

</sc_bundles>
